<compile_context>
chip_gen: v7x
topology: tpu7x:2x2x1
jax: 0.10.2.dev20260603
libtpu: 0.0.44.dev20260713+nightly
codegen_flags: <defaults>
</compile_context>

<pallas_src>
import numpy as np
import jax
import jax.numpy as jnp
from jax.experimental import pallas as pl
from jax.experimental.pallas import tpu as pltpu

_STRIDE = 16
_SCALES = np.array([128.0, 256.0, 512.0], dtype=np.float32)
_RATIOS = np.array([0.5, 1.0, 2.0], dtype=np.float32)
_PRE = 1000
_POST = 300
_NMS_THR = 0.7
_MIN_SIZE = 16.0
_FH = 50
_PG = 52
_ROWS = 2598
_NPAD = 1024


def _anchor_grids():
    ws = (_SCALES[None, :] * np.sqrt(1.0 / _RATIOS)[:, None]).reshape(-1)
    hs = (_SCALES[None, :] * np.sqrt(_RATIOS)[:, None]).reshape(-1)
    r = np.arange(53, 53 + _ROWS)
    gy, gx = r // _PG, r % _PG
    cx = ((gx - 1) + 0.5) * _STRIDE
    cy = ((gy - 1) + 0.5) * _STRIDE
    out = np.empty((4, _ROWS, 9), dtype=np.float32)
    out[0] = cx[:, None]
    out[1] = cy[:, None]
    out[2] = ws[None, :]
    out[3] = hs[None, :]
    return jnp.asarray(out)


def _head_body(x_ref, w9_ref, bconv_ref, wcls_ref, bcls_ref, wd_ref, bd_ref,
               anc_ref, ms_ref, b0_ref, b1_ref, b2_ref, b3_ref, *, img_h, img_w):
    acc = jnp.zeros((_ROWS, 256), jnp.float32)
    for dy in (-1, 0, 1):
        for dx in (-1, 0, 1):
            k = (dy + 1) * 3 + (dx + 1)
            start = 53 + dy * _PG + dx
            xs = x_ref[0, pl.ds(start, _ROWS), :]
            acc += jnp.dot(xs, w9_ref[k], preferred_element_type=jnp.float32)
    h = jnp.maximum(acc + bconv_ref[:, :], 0.0)

    logits = jnp.dot(h, wcls_ref[:, :], preferred_element_type=jnp.float32) + bcls_ref[:, :]
    score = 1.0 / (1.0 + jnp.exp(-logits))

    dxv = jnp.dot(h, wd_ref[0], preferred_element_type=jnp.float32) + bd_ref[0]
    dyv = jnp.dot(h, wd_ref[1], preferred_element_type=jnp.float32) + bd_ref[1]
    dwv = jnp.dot(h, wd_ref[2], preferred_element_type=jnp.float32) + bd_ref[2]
    dhv = jnp.dot(h, wd_ref[3], preferred_element_type=jnp.float32) + bd_ref[3]
    dwv = jnp.minimum(dwv, 4.135)
    dhv = jnp.minimum(dhv, 4.135)

    cxa = anc_ref[0]
    cya = anc_ref[1]
    wa = anc_ref[2]
    ha = anc_ref[3]
    pcx = dxv * wa + cxa
    pcy = dyv * ha + cya
    pw = jnp.exp(dwv) * wa
    ph = jnp.exp(dhv) * ha

    c0 = jnp.clip(pcx - 0.5 * pw, 0.0, img_h)
    c1 = jnp.clip(pcy - 0.5 * ph, 0.0, img_w)
    c2 = jnp.clip(pcx + 0.5 * pw, 0.0, img_h)
    c3 = jnp.clip(pcy + 0.5 * ph, 0.0, img_w)
    hsz = c2 - c0
    wsz = c3 - c1
    valid = (hsz >= _MIN_SIZE) & (wsz >= _MIN_SIZE) & (score >= 0.0)
    ms_ref[0] = jnp.where(valid, score, -1e9)
    b0_ref[0] = c0
    b1_ref[0] = c1
    b2_ref[0] = c2
    b3_ref[0] = c3


def _nms_body(rc_ref, rt_ref, sc_ref, sr_ref, ob_ref, os_ref, sup_ref):
    rc = rc_ref[0]
    rt = rt_ref[0]
    x1c, y1c, x2c, y2c = rc[:, 0:1], rc[:, 1:2], rc[:, 2:3], rc[:, 3:4]
    x1r, y1r, x2r, y2r = rt[0:1, :], rt[1:2, :], rt[2:3, :], rt[3:4, :]

    area_c = (x2c - x1c) * (y2c - y1c)
    area_r = (x2r - x1r) * (y2r - y1r)
    iw = jnp.maximum(jnp.minimum(x2c, x2r) - jnp.maximum(x1c, x1r), 0.0)
    ih = jnp.maximum(jnp.minimum(y2c, y2r) - jnp.maximum(y1c, y1r), 0.0)
    inter = iw * ih
    iou = inter / (area_c + area_r - inter + 1e-9)

    ii = jax.lax.broadcasted_iota(jnp.int32, (_NPAD, _NPAD), 0)
    jj = jax.lax.broadcasted_iota(jnp.int32, (_NPAD, _NPAD), 1)
    sup_ref[:, :] = jnp.where((iou > _NMS_THR) & (jj > ii), 1.0, 0.0)

    lane128 = jax.lax.broadcasted_iota(jnp.int32, (1, 128), 1)
    keep = jnp.ones((1, _NPAD), jnp.float32)
    for b in range(_NPAD // 128):
        base = b * 128
        kb = keep[:, base:base + 128]

        def inner(i, kb, base=base):
            row = sup_ref[pl.ds(base + i, 1), :][:, base:base + 128]
            ki = jnp.sum(kb * jnp.where(lane128 == i, 1.0, 0.0))
            return kb * (1.0 - ki * row)

        kb = jax.lax.fori_loop(0, 128, inner, kb)
        red = jnp.dot(kb, sup_ref[pl.ds(base, 128), :],
                      preferred_element_type=jnp.float32)
        keep = jnp.where(red >= 0.5, 0.0, keep)

    keep = keep * jnp.where(sr_ref[0] > -1e8, 1.0, 0.0)
    lt = jnp.where(ii <= jj, 1.0, 0.0)
    pos = jnp.dot(keep, lt, preferred_element_type=jnp.float32)
    kk = jax.lax.broadcasted_iota(jnp.int32, (304, _NPAD), 0).astype(jnp.float32) + 1.0
    m = jnp.where(jnp.abs(pos - kk) < 0.5, 1.0, 0.0) * keep
    ob_ref[0] = jnp.dot(m, rc, preferred_element_type=jnp.float32,
                        precision=jax.lax.Precision.HIGHEST)
    os_ref[0] = jnp.dot(m, sc_ref[0], preferred_element_type=jnp.float32,
                        precision=jax.lax.Precision.HIGHEST)


def _unpad(a):
    full = jnp.pad(a, ((0, 0), (53, 53), (0, 0)))
    g = full.reshape(2, _PG, _PG, 9)[:, 1:51, 1:51, :]
    return g.reshape(2, _FH * _FH * 9)


def kernel(images, features, W_conv, b_conv, W_cls, b_cls, W_loc, b_loc):
    img_h = float(images.shape[2])
    img_w = float(images.shape[3])
    n = features.shape[0]

    xt = jnp.transpose(features, (0, 2, 3, 1))
    xp = jnp.pad(xt, ((0, 0), (1, 1), (1, 1), (0, 0)))
    x = xp.reshape(n, _PG * _PG, 256)

    w9 = jnp.transpose(W_conv, (2, 3, 1, 0)).reshape(9, 256, 256)
    wcls = W_cls[:, :, 0, 0].T
    wloc = W_loc[:, :, 0, 0].T
    wd = jnp.stack([wloc[:, c::4] for c in range(4)])
    bd = jnp.stack([b_loc[c::4] for c in range(4)])[:, None, :]
    anc = _anchor_grids()

    import functools
    head = pl.pallas_call(
        functools.partial(_head_body, img_h=img_h, img_w=img_w),
        grid=(n,),
        in_specs=[
            pl.BlockSpec((1, _PG * _PG, 256), lambda i: (i, 0, 0)),
            pl.BlockSpec((9, 256, 256), lambda i: (0, 0, 0)),
            pl.BlockSpec((1, 256), lambda i: (0, 0)),
            pl.BlockSpec((256, 9), lambda i: (0, 0)),
            pl.BlockSpec((1, 9), lambda i: (0, 0)),
            pl.BlockSpec((4, 256, 9), lambda i: (0, 0, 0)),
            pl.BlockSpec((4, 1, 9), lambda i: (0, 0, 0)),
            pl.BlockSpec((4, _ROWS, 9), lambda i: (0, 0, 0)),
        ],
        out_specs=[pl.BlockSpec((1, _ROWS, 9), lambda i: (i, 0, 0))] * 5,
        out_shape=[jax.ShapeDtypeStruct((n, _ROWS, 9), jnp.float32)] * 5,
    )
    ms, c0, c1, c2, c3 = head(x, w9, b_conv.reshape(1, 256), wcls,
                              b_cls.reshape(1, 9), wd, bd, anc)

    masked = _unpad(ms)
    boxes_flat = jnp.stack([_unpad(c0), _unpad(c1), _unpad(c2), _unpad(c3)], axis=-1)
    top_scores, order = jax.lax.top_k(masked, _PRE)
    top_rois = jnp.take_along_axis(boxes_flat, order[..., None], axis=1)

    rois_p = jnp.pad(top_rois, ((0, 0), (0, _NPAD - _PRE), (0, 0)))
    sp = jnp.pad(top_scores, ((0, 0), (0, _NPAD - _PRE)), constant_values=-1e9)
    rt = jnp.transpose(rois_p, (0, 2, 1))

    nms = pl.pallas_call(
        _nms_body,
        grid=(n,),
        in_specs=[
            pl.BlockSpec((1, _NPAD, 4), lambda i: (i, 0, 0)),
            pl.BlockSpec((1, 4, _NPAD), lambda i: (i, 0, 0)),
            pl.BlockSpec((1, _NPAD, 1), lambda i: (i, 0, 0)),
            pl.BlockSpec((1, 1, _NPAD), lambda i: (i, 0, 0)),
        ],
        out_specs=[
            pl.BlockSpec((1, 304, 4), lambda i: (i, 0, 0)),
            pl.BlockSpec((1, 304, 1), lambda i: (i, 0, 0)),
        ],
        out_shape=[
            jax.ShapeDtypeStruct((n, 304, 4), jnp.float32),
            jax.ShapeDtypeStruct((n, 304, 1), jnp.float32),
        ],
        scratch_shapes=[
            pltpu.VMEM((_NPAD, _NPAD), jnp.float32),
        ],
    )
    ob, os_ = nms(rois_p, rt, sp[..., None], sp[:, None, :])
    return jnp.concatenate([ob[:, :_POST, :], os_[:, :_POST, :]], axis=-1)

# --- scband reference (transcript-rebuilt; emitter-appended) ---
"""Pipeline reference for scband-region-proposal-network-62723702391388 (READ-ONLY COPY).

The authoritative reference and input builder live on the scoring server;
editing this copy changes nothing except your own understanding.
"""

import jax, jax.numpy as jnp
import numpy as np

STRIDE = 16
SCALES = np.array([128.0, 256.0, 512.0], dtype=np.float32)
RATIOS = np.array([0.5, 1.0, 2.0], dtype=np.float32)
N_PRE_NMS = 1000
N_POST_NMS = 300
NMS_THRESH = 0.7
ROI_MIN_SIZE = 16.0
SCORE_THRESH = 0.0


def make_anchors(H, W):
    ws = (SCALES[None, :] * np.sqrt(1.0 / RATIOS)[:, None]).reshape(-1)
    hs = (SCALES[None, :] * np.sqrt(RATIOS)[:, None]).reshape(-1)
    base = np.stack([-ws / 2, -hs / 2, ws / 2, hs / 2], axis=1)
    shift_x = (np.arange(W, dtype=np.float32) + 0.5) * STRIDE
    shift_y = (np.arange(H, dtype=np.float32) + 0.5) * STRIDE
    sy, sx = np.meshgrid(shift_y, shift_x, indexing='ij')
    shifts = np.stack([sx.ravel(), sy.ravel(), sx.ravel(), sy.ravel()], axis=1)
    anchors = (shifts[:, None, :] + base[None, :, :]).reshape(-1, 4)
    return jnp.asarray(anchors, dtype=jnp.float32)


def conv2d(x, w, b):
    y = jax.lax.conv_general_dilated(x, w, (1, 1), 'SAME', dimension_numbers=('NCHW', 'OIHW', 'NCHW'))
    return y + b[None, :, None, None]


def permute_and_flatten(layer, N, C, H, W):
    layer = layer.reshape(N, -1, C, H, W)
    layer = jnp.transpose(layer, (0, 3, 4, 1, 2))
    return layer.reshape(N, -1, C)


def decode_boxes(anchors, deltas):
    widths = anchors[:, 2] - anchors[:, 0]
    heights = anchors[:, 3] - anchors[:, 1]
    ctr_x = anchors[:, 0] + 0.5 * widths
    ctr_y = anchors[:, 1] + 0.5 * heights
    dx, dy, dw, dh = deltas[:, 0], deltas[:, 1], deltas[:, 2], deltas[:, 3]
    dw = jnp.minimum(dw, 4.135)
    dh = jnp.minimum(dh, 4.135)
    pcx = dx * widths + ctr_x
    pcy = dy * heights + ctr_y
    pw = jnp.exp(dw) * widths
    ph = jnp.exp(dh) * heights
    return jnp.stack([pcx - 0.5 * pw, pcy - 0.5 * ph, pcx + 0.5 * pw, pcy + 0.5 * ph], axis=1)


def box_iou(a, b):
    area_a = (a[:, 2] - a[:, 0]) * (a[:, 3] - a[:, 1])
    area_b = (b[:, 2] - b[:, 0]) * (b[:, 3] - b[:, 1])
    lt = jnp.maximum(a[:, None, :2], b[None, :, :2])
    rb = jnp.minimum(a[:, None, 2:], b[None, :, 2:])
    wh = jnp.maximum(rb - lt, 0.0)
    inter = wh[..., 0] * wh[..., 1]
    return inter / (area_a[:, None] + area_b[None, :] - inter + 1e-9)


def nms_keep(boxes, iou_thresh):
    n = boxes.shape[0]
    iou = box_iou(boxes, boxes)
    idx = jnp.arange(n)
    sup = (iou > iou_thresh) & (idx[None, :] > idx[:, None])

    def body(i, keep):
        row = jnp.where(keep[i], sup[i], jnp.zeros((n,), dtype=bool))
        return keep & (~row)

    return jax.lax.fori_loop(0, n, body, jnp.ones((n,), dtype=bool))


def filter_one(rois, scores, img_h, img_w):
    rois = jnp.stack([
        jnp.clip(rois[:, 0], 0.0, img_h),
        jnp.clip(rois[:, 1], 0.0, img_w),
        jnp.clip(rois[:, 2], 0.0, img_h),
        jnp.clip(rois[:, 3], 0.0, img_w)], axis=1)
    hs = rois[:, 2] - rois[:, 0]
    ws = rois[:, 3] - rois[:, 1]
    valid = (hs >= ROI_MIN_SIZE) & (ws >= ROI_MIN_SIZE) & (scores >= SCORE_THRESH)
    masked = jnp.where(valid, scores, -1e9)
    top_scores, order = jax.lax.top_k(masked, N_PRE_NMS)
    top_rois = rois[order]
    keep = nms_keep(jax.lax.stop_gradient(top_rois), NMS_THRESH)
    keep = keep & (top_scores > -1e8)
    rank = jnp.argsort(jnp.where(keep, 0, 1).astype(jnp.int32))
    sel = rank[:N_POST_NMS]
    kv = keep[sel]
    out_boxes = jnp.where(kv[:, None], top_rois[sel], 0.0)
    out_scores = jnp.where(kv, top_scores[sel], 0.0)
    return out_boxes, out_scores


def _forward(images, features, W_conv, b_conv, W_cls, b_cls, W_loc, b_loc):
    N = features.shape[0]
    H, W = features.shape[2], features.shape[3]
    img_h = float(images.shape[2])
    img_w = float(images.shape[3])
    h = jax.nn.relu(conv2d(features, W_conv, b_conv))
    logits = conv2d(h, W_cls, b_cls)
    locs = conv2d(h, W_loc, b_loc)
    obj_scores = permute_and_flatten(logits, N, 1, H, W)
    roi_locs = permute_and_flatten(locs, N, 4, H, W)
    anchors = make_anchors(H, W)
    scores = jax.nn.sigmoid(obj_scores[..., 0])
    outs_b, outs_s = [], []
    for i in range(N):
        rois = decode_boxes(anchors, roi_locs[i])
        b, s = filter_one(rois, scores[i], img_h, img_w)
        outs_b.append(b)
        outs_s.append(s)
    boxes = jnp.stack(outs_b)
    sc = jnp.stack(outs_s)
    return jnp.concatenate([boxes, sc[..., None]], axis=-1)


def setup_inputs(seed: int = 0) -> dict:
    key = jax.random.key(seed)
    ks = jax.random.split(key, 8)
    images = jax.random.uniform(ks[0], (2, 3, 800, 800), dtype=jnp.float32)
    features = jax.random.normal(ks[1], (2, 256, 50, 50), dtype=jnp.float32)
    W_conv = jax.random.normal(ks[2], (256, 256, 3, 3), dtype=jnp.float32) * 0.02
    b_conv = jnp.zeros((256,), dtype=jnp.float32)
    W_cls = jax.random.normal(ks[3], (9, 256, 1, 1), dtype=jnp.float32) * 0.02
    b_cls = jnp.zeros((9,), dtype=jnp.float32)
    W_loc = jax.random.normal(ks[4], (36, 256, 1, 1), dtype=jnp.float32) * 0.02
    b_loc = jnp.zeros((36,), dtype=jnp.float32)
    return {'images': images, 'features': features, 'W_conv': W_conv, 'b_conv': b_conv,
            'W_cls': W_cls, 'b_cls': b_cls, 'W_loc': W_loc, 'b_loc': b_loc}


def reference(images, features, W_conv, b_conv, W_cls, b_cls, W_loc, b_loc):
    return _forward(images, features, W_conv, b_conv, W_cls, b_cls, W_loc, b_loc)

if __name__ == "__main__":
    import jax
    _d = setup_inputs()
    print(jax.jit(kernel)(*tuple(_d.values())))

</pallas_src>

<mosaic_0001>
module attributes {stable_mosaic.version = 14 : i64} {
  func.func @_head_body(%arg0: i32, %arg1: memref<1x2704x256xf32, #tpu.memory_space<vmem>>, %arg2: memref<9x256x256xf32, #tpu.memory_space<vmem>>, %arg3: memref<1x256xf32, #tpu.memory_space<vmem>>, %arg4: memref<256x9xf32, #tpu.memory_space<vmem>>, %arg5: memref<1x9xf32, #tpu.memory_space<vmem>>, %arg6: memref<4x256x9xf32, #tpu.memory_space<vmem>>, %arg7: memref<4x1x9xf32, #tpu.memory_space<vmem>>, %arg8: memref<4x2598x9xf32, #tpu.memory_space<vmem>>, %arg9: memref<1x2598x9xf32, #tpu.memory_space<vmem>>, %arg10: memref<1x2598x9xf32, #tpu.memory_space<vmem>>, %arg11: memref<1x2598x9xf32, #tpu.memory_space<vmem>>, %arg12: memref<1x2598x9xf32, #tpu.memory_space<vmem>>, %arg13: memref<1x2598x9xf32, #tpu.memory_space<vmem>>) attributes {dimension_semantics = [#tpu.dimension_semantics<arbitrary>], iteration_bounds = array<i64: 2>, scalar_prefetch = 0 : i64, scratch_operands = 0 : i64, tpu.core_type = #tpu.core_type<tc>, window_params = [{transform_indices = @transform_0, window_bounds = array<i64: 1, 2704, 256>}, {pipeline_mode = #tpu.pipeline_mode<synchronous>, transform_indices = @transform_1, window_bounds = array<i64: 9, 256, 256>}, {pipeline_mode = #tpu.pipeline_mode<synchronous>, transform_indices = @transform_2, window_bounds = array<i64: 1, 256>}, {pipeline_mode = #tpu.pipeline_mode<synchronous>, transform_indices = @transform_3, window_bounds = array<i64: 256, 9>}, {pipeline_mode = #tpu.pipeline_mode<synchronous>, transform_indices = @transform_4, window_bounds = array<i64: 1, 9>}, {pipeline_mode = #tpu.pipeline_mode<synchronous>, transform_indices = @transform_5, window_bounds = array<i64: 4, 256, 9>}, {pipeline_mode = #tpu.pipeline_mode<synchronous>, transform_indices = @transform_6, window_bounds = array<i64: 4, 1, 9>}, {pipeline_mode = #tpu.pipeline_mode<synchronous>, transform_indices = @transform_7, window_bounds = array<i64: 4, 2598, 9>}, {transform_indices = @transform_8, window_bounds = array<i64: 1, 2598, 9>}, {transform_indices = @transform_9, window_bounds = array<i64: 1, 2598, 9>}, {transform_indices = @transform_10, window_bounds = array<i64: 1, 2598, 9>}, {transform_indices = @transform_11, window_bounds = array<i64: 1, 2598, 9>}, {transform_indices = @transform_12, window_bounds = array<i64: 1, 2598, 9>}]} {
    %broadcast_in_dim3A = arith.constant 0.000000e+00 : f32
    %broadcast_in_dim3A_0 = vector.broadcast %broadcast_in_dim3A : f32 to vector<2598x256xf32>
    %get3A = arith.constant 0 : index
    %get3A_1 = arith.constant 0 : index
    %get3A_2 = arith.constant 0 : index
    %get3A_3 = vector.load %arg1[%get3A, %get3A_1, %get3A_2] : memref<1x2704x256xf32, #tpu.memory_space<vmem>>, vector<1x2598x256xf32>
    %get3A_4 = vector.shape_cast %get3A_3 : vector<1x2598x256xf32> to vector<2598x256xf32>
    %get3A_5 = arith.constant 0 : index
    %get3A_6 = arith.constant 0 : index
    %get3A_7 = arith.constant 0 : index
    %get3A_8 = vector.load %arg2[%get3A_5, %get3A_6, %get3A_7] : memref<9x256x256xf32, #tpu.memory_space<vmem>>, vector<1x256x256xf32>
    %get3A_9 = vector.shape_cast %get3A_8 : vector<1x256x256xf32> to vector<256x256xf32>
    %dot_general3A = arith.constant dense<0.000000e+00> : vector<2598x256xf32>
    %dot_general3A_10 = tpu.matmul %get3A_4, %get3A_9, %dot_general3A {dimension_numbers = #tpu.dot_dimension_numbers<[1], [0], [0], [1], [0, 0, 1, 1], [], []>, transpose_lhs_hint = false} : vector<2598x256xf32>, vector<256x256xf32>, vector<2598x256xf32> -> vector<2598x256xf32>
    %add3A = arith.addf %broadcast_in_dim3A_0, %dot_general3A_10 : vector<2598x256xf32>
    %get3A_11 = arith.constant 0 : index
    %get3A_12 = arith.constant 1 : index
    %get3A_13 = arith.constant 0 : index
    %get3A_14 = vector.load %arg1[%get3A_11, %get3A_12, %get3A_13] : memref<1x2704x256xf32, #tpu.memory_space<vmem>>, vector<1x2598x256xf32>
    %get3A_15 = vector.shape_cast %get3A_14 : vector<1x2598x256xf32> to vector<2598x256xf32>
    %get3A_16 = arith.constant 1 : index
    %get3A_17 = arith.constant 0 : index
    %get3A_18 = arith.constant 0 : index
    %get3A_19 = vector.load %arg2[%get3A_16, %get3A_17, %get3A_18] : memref<9x256x256xf32, #tpu.memory_space<vmem>>, vector<1x256x256xf32>
    %get3A_20 = vector.shape_cast %get3A_19 : vector<1x256x256xf32> to vector<256x256xf32>
    %dot_general3A_21 = arith.constant dense<0.000000e+00> : vector<2598x256xf32>
    %dot_general3A_22 = tpu.matmul %get3A_15, %get3A_20, %dot_general3A_21 {dimension_numbers = #tpu.dot_dimension_numbers<[1], [0], [0], [1], [0, 0, 1, 1], [], []>, transpose_lhs_hint = false} : vector<2598x256xf32>, vector<256x256xf32>, vector<2598x256xf32> -> vector<2598x256xf32>
    %add3A_23 = arith.addf %add3A, %dot_general3A_22 : vector<2598x256xf32>
    %get3A_24 = arith.constant 0 : index
    %get3A_25 = arith.constant 2 : index
    %get3A_26 = arith.constant 0 : index
    %get3A_27 = vector.load %arg1[%get3A_24, %get3A_25, %get3A_26] : memref<1x2704x256xf32, #tpu.memory_space<vmem>>, vector<1x2598x256xf32>
    %get3A_28 = vector.shape_cast %get3A_27 : vector<1x2598x256xf32> to vector<2598x256xf32>
    %get3A_29 = arith.constant 2 : index
    %get3A_30 = arith.constant 0 : index
    %get3A_31 = arith.constant 0 : index
    %get3A_32 = vector.load %arg2[%get3A_29, %get3A_30, %get3A_31] : memref<9x256x256xf32, #tpu.memory_space<vmem>>, vector<1x256x256xf32>
    %get3A_33 = vector.shape_cast %get3A_32 : vector<1x256x256xf32> to vector<256x256xf32>
    %dot_general3A_34 = arith.constant dense<0.000000e+00> : vector<2598x256xf32>
    %dot_general3A_35 = tpu.matmul %get3A_28, %get3A_33, %dot_general3A_34 {dimension_numbers = #tpu.dot_dimension_numbers<[1], [0], [0], [1], [0, 0, 1, 1], [], []>, transpose_lhs_hint = false} : vector<2598x256xf32>, vector<256x256xf32>, vector<2598x256xf32> -> vector<2598x256xf32>
    %add3A_36 = arith.addf %add3A_23, %dot_general3A_35 : vector<2598x256xf32>
    %get3A_37 = arith.constant 0 : index
    %get3A_38 = arith.constant 52 : index
    %get3A_39 = arith.constant 0 : index
    %get3A_40 = vector.load %arg1[%get3A_37, %get3A_38, %get3A_39] : memref<1x2704x256xf32, #tpu.memory_space<vmem>>, vector<1x2598x256xf32>
    %get3A_41 = vector.shape_cast %get3A_40 : vector<1x2598x256xf32> to vector<2598x256xf32>
    %get3A_42 = arith.constant 3 : index
    %get3A_43 = arith.constant 0 : index
    %get3A_44 = arith.constant 0 : index
    %get3A_45 = vector.load %arg2[%get3A_42, %get3A_43, %get3A_44] : memref<9x256x256xf32, #tpu.memory_space<vmem>>, vector<1x256x256xf32>
    %get3A_46 = vector.shape_cast %get3A_45 : vector<1x256x256xf32> to vector<256x256xf32>
    %dot_general3A_47 = arith.constant dense<0.000000e+00> : vector<2598x256xf32>
    %dot_general3A_48 = tpu.matmul %get3A_41, %get3A_46, %dot_general3A_47 {dimension_numbers = #tpu.dot_dimension_numbers<[1], [0], [0], [1], [0, 0, 1, 1], [], []>, transpose_lhs_hint = false} : vector<2598x256xf32>, vector<256x256xf32>, vector<2598x256xf32> -> vector<2598x256xf32>
    %add3A_49 = arith.addf %add3A_36, %dot_general3A_48 : vector<2598x256xf32>
    %get3A_50 = arith.constant 0 : index
    %get3A_51 = arith.constant 53 : index
    %get3A_52 = arith.constant 0 : index
    %get3A_53 = vector.load %arg1[%get3A_50, %get3A_51, %get3A_52] : memref<1x2704x256xf32, #tpu.memory_space<vmem>>, vector<1x2598x256xf32>
    %get3A_54 = vector.shape_cast %get3A_53 : vector<1x2598x256xf32> to vector<2598x256xf32>
    %get3A_55 = arith.constant 4 : index
    %get3A_56 = arith.constant 0 : index
    %get3A_57 = arith.constant 0 : index
    %get3A_58 = vector.load %arg2[%get3A_55, %get3A_56, %get3A_57] : memref<9x256x256xf32, #tpu.memory_space<vmem>>, vector<1x256x256xf32>
    %get3A_59 = vector.shape_cast %get3A_58 : vector<1x256x256xf32> to vector<256x256xf32>
    %dot_general3A_60 = arith.constant dense<0.000000e+00> : vector<2598x256xf32>
    %dot_general3A_61 = tpu.matmul %get3A_54, %get3A_59, %dot_general3A_60 {dimension_numbers = #tpu.dot_dimension_numbers<[1], [0], [0], [1], [0, 0, 1, 1], [], []>, transpose_lhs_hint = false} : vector<2598x256xf32>, vector<256x256xf32>, vector<2598x256xf32> -> vector<2598x256xf32>
    %add3A_62 = arith.addf %add3A_49, %dot_general3A_61 : vector<2598x256xf32>
    %get3A_63 = arith.constant 0 : index
    %get3A_64 = arith.constant 54 : index
    %get3A_65 = arith.constant 0 : index
    %get3A_66 = vector.load %arg1[%get3A_63, %get3A_64, %get3A_65] : memref<1x2704x256xf32, #tpu.memory_space<vmem>>, vector<1x2598x256xf32>
    %get3A_67 = vector.shape_cast %get3A_66 : vector<1x2598x256xf32> to vector<2598x256xf32>
    %get3A_68 = arith.constant 5 : index
    %get3A_69 = arith.constant 0 : index
    %get3A_70 = arith.constant 0 : index
    %get3A_71 = vector.load %arg2[%get3A_68, %get3A_69, %get3A_70] : memref<9x256x256xf32, #tpu.memory_space<vmem>>, vector<1x256x256xf32>
    %get3A_72 = vector.shape_cast %get3A_71 : vector<1x256x256xf32> to vector<256x256xf32>
    %dot_general3A_73 = arith.constant dense<0.000000e+00> : vector<2598x256xf32>
    %dot_general3A_74 = tpu.matmul %get3A_67, %get3A_72, %dot_general3A_73 {dimension_numbers = #tpu.dot_dimension_numbers<[1], [0], [0], [1], [0, 0, 1, 1], [], []>, transpose_lhs_hint = false} : vector<2598x256xf32>, vector<256x256xf32>, vector<2598x256xf32> -> vector<2598x256xf32>
    %add3A_75 = arith.addf %add3A_62, %dot_general3A_74 : vector<2598x256xf32>
    %get3A_76 = arith.constant 0 : index
    %get3A_77 = arith.constant 104 : index
    %get3A_78 = arith.constant 0 : index
    %get3A_79 = vector.load %arg1[%get3A_76, %get3A_77, %get3A_78] : memref<1x2704x256xf32, #tpu.memory_space<vmem>>, vector<1x2598x256xf32>
    %get3A_80 = vector.shape_cast %get3A_79 : vector<1x2598x256xf32> to vector<2598x256xf32>
    %get3A_81 = arith.constant 6 : index
    %get3A_82 = arith.constant 0 : index
    %get3A_83 = arith.constant 0 : index
    %get3A_84 = vector.load %arg2[%get3A_81, %get3A_82, %get3A_83] : memref<9x256x256xf32, #tpu.memory_space<vmem>>, vector<1x256x256xf32>
    %get3A_85 = vector.shape_cast %get3A_84 : vector<1x256x256xf32> to vector<256x256xf32>
    %dot_general3A_86 = arith.constant dense<0.000000e+00> : vector<2598x256xf32>
    %dot_general3A_87 = tpu.matmul %get3A_80, %get3A_85, %dot_general3A_86 {dimension_numbers = #tpu.dot_dimension_numbers<[1], [0], [0], [1], [0, 0, 1, 1], [], []>, transpose_lhs_hint = false} : vector<2598x256xf32>, vector<256x256xf32>, vector<2598x256xf32> -> vector<2598x256xf32>
    %add3A_88 = arith.addf %add3A_75, %dot_general3A_87 : vector<2598x256xf32>
    %get3A_89 = arith.constant 0 : index
    %get3A_90 = arith.constant 105 : index
    %get3A_91 = arith.constant 0 : index
    %get3A_92 = vector.load %arg1[%get3A_89, %get3A_90, %get3A_91] : memref<1x2704x256xf32, #tpu.memory_space<vmem>>, vector<1x2598x256xf32>
    %get3A_93 = vector.shape_cast %get3A_92 : vector<1x2598x256xf32> to vector<2598x256xf32>
    %get3A_94 = arith.constant 7 : index
    %get3A_95 = arith.constant 0 : index
    %get3A_96 = arith.constant 0 : index
    %get3A_97 = vector.load %arg2[%get3A_94, %get3A_95, %get3A_96] : memref<9x256x256xf32, #tpu.memory_space<vmem>>, vector<1x256x256xf32>
    %get3A_98 = vector.shape_cast %get3A_97 : vector<1x256x256xf32> to vector<256x256xf32>
    %dot_general3A_99 = arith.constant dense<0.000000e+00> : vector<2598x256xf32>
    %dot_general3A_100 = tpu.matmul %get3A_93, %get3A_98, %dot_general3A_99 {dimension_numbers = #tpu.dot_dimension_numbers<[1], [0], [0], [1], [0, 0, 1, 1], [], []>, transpose_lhs_hint = false} : vector<2598x256xf32>, vector<256x256xf32>, vector<2598x256xf32> -> vector<2598x256xf32>
    %add3A_101 = arith.addf %add3A_88, %dot_general3A_100 : vector<2598x256xf32>
    %get3A_102 = arith.constant 0 : index
    %get3A_103 = arith.constant 106 : index
    %get3A_104 = arith.constant 0 : index
    %get3A_105 = vector.load %arg1[%get3A_102, %get3A_103, %get3A_104] : memref<1x2704x256xf32, #tpu.memory_space<vmem>>, vector<1x2598x256xf32>
    %get3A_106 = vector.shape_cast %get3A_105 : vector<1x2598x256xf32> to vector<2598x256xf32>
    %get3A_107 = arith.constant 8 : index
    %get3A_108 = arith.constant 0 : index
    %get3A_109 = arith.constant 0 : index
    %get3A_110 = vector.load %arg2[%get3A_107, %get3A_108, %get3A_109] : memref<9x256x256xf32, #tpu.memory_space<vmem>>, vector<1x256x256xf32>
    %get3A_111 = vector.shape_cast %get3A_110 : vector<1x256x256xf32> to vector<256x256xf32>
    %dot_general3A_112 = arith.constant dense<0.000000e+00> : vector<2598x256xf32>
    %dot_general3A_113 = tpu.matmul %get3A_106, %get3A_111, %dot_general3A_112 {dimension_numbers = #tpu.dot_dimension_numbers<[1], [0], [0], [1], [0, 0, 1, 1], [], []>, transpose_lhs_hint = false} : vector<2598x256xf32>, vector<256x256xf32>, vector<2598x256xf32> -> vector<2598x256xf32>
    %add3A_114 = arith.addf %add3A_101, %dot_general3A_113 : vector<2598x256xf32>
    %get3A_115 = arith.constant 0 : index
    %get3A_116 = arith.constant 0 : index
    %get3A_117 = vector.load %arg3[%get3A_115, %get3A_116] : memref<1x256xf32, #tpu.memory_space<vmem>>, vector<1x256xf32>
    %add3A_118 = vector.broadcast %get3A_117 : vector<1x256xf32> to vector<2598x256xf32>
    %add3A_119 = arith.addf %add3A_114, %add3A_118 : vector<2598x256xf32>
    %max3A = arith.constant 0.000000e+00 : f32
    %max3A_120 = vector.broadcast %max3A : f32 to vector<2598x256xf32>
    %max3A_121 = arith.maximumf %add3A_119, %max3A_120 : vector<2598x256xf32>
    %get3A_122 = arith.constant 0 : index
    %get3A_123 = arith.constant 0 : index
    %get3A_124 = vector.load %arg4[%get3A_122, %get3A_123] : memref<256x9xf32, #tpu.memory_space<vmem>>, vector<256x9xf32>
    %dot_general3A_125 = arith.constant dense<0.000000e+00> : vector<2598x9xf32>
    %dot_general3A_126 = tpu.matmul %max3A_121, %get3A_124, %dot_general3A_125 {dimension_numbers = #tpu.dot_dimension_numbers<[1], [0], [0], [1], [0, 0, 1, 1], [], []>, transpose_lhs_hint = false} : vector<2598x256xf32>, vector<256x9xf32>, vector<2598x9xf32> -> vector<2598x9xf32>
    %get3A_127 = arith.constant 0 : index
    %get3A_128 = arith.constant 0 : index
    %get3A_129 = vector.load %arg5[%get3A_127, %get3A_128] : memref<1x9xf32, #tpu.memory_space<vmem>>, vector<1x9xf32>
    %add3A_130 = vector.broadcast %get3A_129 : vector<1x9xf32> to vector<2598x9xf32>
    %add3A_131 = arith.addf %dot_general3A_126, %add3A_130 : vector<2598x9xf32>
    %neg3A = arith.constant 0.000000e+00 : f32
    %neg3A_132 = vector.broadcast %neg3A : f32 to vector<2598x9xf32>
    %neg3A_133 = arith.subf %neg3A_132, %add3A_131 : vector<2598x9xf32>
    %exp3A = math.exp %neg3A_133 : vector<2598x9xf32>
    %add3A_134 = arith.constant 1.000000e+00 : f32
    %add3A_135 = vector.broadcast %add3A_134 : f32 to vector<2598x9xf32>
    %add3A_136 = arith.addf %add3A_135, %exp3A : vector<2598x9xf32>
    %div3A = arith.constant 1.000000e+00 : f32
    %div3A_137 = vector.broadcast %div3A : f32 to vector<2598x9xf32>
    %div3A_138 = arith.divf %div3A_137, %add3A_136 : vector<2598x9xf32>
    %get3A_139 = arith.constant 0 : index
    %get3A_140 = arith.constant 0 : index
    %get3A_141 = arith.constant 0 : index
    %get3A_142 = vector.load %arg6[%get3A_139, %get3A_140, %get3A_141] : memref<4x256x9xf32, #tpu.memory_space<vmem>>, vector<1x256x9xf32>
    %get3A_143 = vector.shape_cast %get3A_142 : vector<1x256x9xf32> to vector<256x9xf32>
    %dot_general3A_144 = arith.constant dense<0.000000e+00> : vector<2598x9xf32>
    %dot_general3A_145 = tpu.matmul %max3A_121, %get3A_143, %dot_general3A_144 {dimension_numbers = #tpu.dot_dimension_numbers<[1], [0], [0], [1], [0, 0, 1, 1], [], []>, transpose_lhs_hint = false} : vector<2598x256xf32>, vector<256x9xf32>, vector<2598x9xf32> -> vector<2598x9xf32>
    %get3A_146 = arith.constant 0 : index
    %get3A_147 = arith.constant 0 : index
    %get3A_148 = arith.constant 0 : index
    %get3A_149 = vector.load %arg7[%get3A_146, %get3A_147, %get3A_148] : memref<4x1x9xf32, #tpu.memory_space<vmem>>, vector<1x1x9xf32>
    %get3A_150 = vector.shape_cast %get3A_149 : vector<1x1x9xf32> to vector<1x9xf32>
    %add3A_151 = vector.broadcast %get3A_150 : vector<1x9xf32> to vector<2598x9xf32>
    %add3A_152 = arith.addf %dot_general3A_145, %add3A_151 : vector<2598x9xf32>
    %get3A_153 = arith.constant 1 : index
    %get3A_154 = arith.constant 0 : index
    %get3A_155 = arith.constant 0 : index
    %get3A_156 = vector.load %arg6[%get3A_153, %get3A_154, %get3A_155] : memref<4x256x9xf32, #tpu.memory_space<vmem>>, vector<1x256x9xf32>
    %get3A_157 = vector.shape_cast %get3A_156 : vector<1x256x9xf32> to vector<256x9xf32>
    %dot_general3A_158 = arith.constant dense<0.000000e+00> : vector<2598x9xf32>
    %dot_general3A_159 = tpu.matmul %max3A_121, %get3A_157, %dot_general3A_158 {dimension_numbers = #tpu.dot_dimension_numbers<[1], [0], [0], [1], [0, 0, 1, 1], [], []>, transpose_lhs_hint = false} : vector<2598x256xf32>, vector<256x9xf32>, vector<2598x9xf32> -> vector<2598x9xf32>
    %get3A_160 = arith.constant 1 : index
    %get3A_161 = arith.constant 0 : index
    %get3A_162 = arith.constant 0 : index
    %get3A_163 = vector.load %arg7[%get3A_160, %get3A_161, %get3A_162] : memref<4x1x9xf32, #tpu.memory_space<vmem>>, vector<1x1x9xf32>
    %get3A_164 = vector.shape_cast %get3A_163 : vector<1x1x9xf32> to vector<1x9xf32>
    %add3A_165 = vector.broadcast %get3A_164 : vector<1x9xf32> to vector<2598x9xf32>
    %add3A_166 = arith.addf %dot_general3A_159, %add3A_165 : vector<2598x9xf32>
    %get3A_167 = arith.constant 2 : index
    %get3A_168 = arith.constant 0 : index
    %get3A_169 = arith.constant 0 : index
    %get3A_170 = vector.load %arg6[%get3A_167, %get3A_168, %get3A_169] : memref<4x256x9xf32, #tpu.memory_space<vmem>>, vector<1x256x9xf32>
    %get3A_171 = vector.shape_cast %get3A_170 : vector<1x256x9xf32> to vector<256x9xf32>
    %dot_general3A_172 = arith.constant dense<0.000000e+00> : vector<2598x9xf32>
    %dot_general3A_173 = tpu.matmul %max3A_121, %get3A_171, %dot_general3A_172 {dimension_numbers = #tpu.dot_dimension_numbers<[1], [0], [0], [1], [0, 0, 1, 1], [], []>, transpose_lhs_hint = false} : vector<2598x256xf32>, vector<256x9xf32>, vector<2598x9xf32> -> vector<2598x9xf32>
    %get3A_174 = arith.constant 2 : index
    %get3A_175 = arith.constant 0 : index
    %get3A_176 = arith.constant 0 : index
    %get3A_177 = vector.load %arg7[%get3A_174, %get3A_175, %get3A_176] : memref<4x1x9xf32, #tpu.memory_space<vmem>>, vector<1x1x9xf32>
    %get3A_178 = vector.shape_cast %get3A_177 : vector<1x1x9xf32> to vector<1x9xf32>
    %add3A_179 = vector.broadcast %get3A_178 : vector<1x9xf32> to vector<2598x9xf32>
    %add3A_180 = arith.addf %dot_general3A_173, %add3A_179 : vector<2598x9xf32>
    %get3A_181 = arith.constant 3 : index
    %get3A_182 = arith.constant 0 : index
    %get3A_183 = arith.constant 0 : index
    %get3A_184 = vector.load %arg6[%get3A_181, %get3A_182, %get3A_183] : memref<4x256x9xf32, #tpu.memory_space<vmem>>, vector<1x256x9xf32>
    %get3A_185 = vector.shape_cast %get3A_184 : vector<1x256x9xf32> to vector<256x9xf32>
    %dot_general3A_186 = arith.constant dense<0.000000e+00> : vector<2598x9xf32>
    %dot_general3A_187 = tpu.matmul %max3A_121, %get3A_185, %dot_general3A_186 {dimension_numbers = #tpu.dot_dimension_numbers<[1], [0], [0], [1], [0, 0, 1, 1], [], []>, transpose_lhs_hint = false} : vector<2598x256xf32>, vector<256x9xf32>, vector<2598x9xf32> -> vector<2598x9xf32>
    %get3A_188 = arith.constant 3 : index
    %get3A_189 = arith.constant 0 : index
    %get3A_190 = arith.constant 0 : index
    %get3A_191 = vector.load %arg7[%get3A_188, %get3A_189, %get3A_190] : memref<4x1x9xf32, #tpu.memory_space<vmem>>, vector<1x1x9xf32>
    %get3A_192 = vector.shape_cast %get3A_191 : vector<1x1x9xf32> to vector<1x9xf32>
    %add3A_193 = vector.broadcast %get3A_192 : vector<1x9xf32> to vector<2598x9xf32>
    %add3A_194 = arith.addf %dot_general3A_187, %add3A_193 : vector<2598x9xf32>
    %min3A = arith.constant 4.135000e+00 : f32
    %min3A_195 = vector.broadcast %min3A : f32 to vector<2598x9xf32>
    %min3A_196 = arith.minimumf %add3A_180, %min3A_195 : vector<2598x9xf32>
    %min3A_197 = arith.constant 4.135000e+00 : f32
    %min3A_198 = vector.broadcast %min3A_197 : f32 to vector<2598x9xf32>
    %min3A_199 = arith.minimumf %add3A_194, %min3A_198 : vector<2598x9xf32>
    %get3A_200 = arith.constant 0 : index
    %get3A_201 = arith.constant 0 : index
    %get3A_202 = arith.constant 0 : index
    %get3A_203 = vector.load %arg8[%get3A_200, %get3A_201, %get3A_202] : memref<4x2598x9xf32, #tpu.memory_space<vmem>>, vector<1x2598x9xf32>
    %get3A_204 = vector.shape_cast %get3A_203 : vector<1x2598x9xf32> to vector<2598x9xf32>
    %get3A_205 = arith.constant 1 : index
    %get3A_206 = arith.constant 0 : index
    %get3A_207 = arith.constant 0 : index
    %get3A_208 = vector.load %arg8[%get3A_205, %get3A_206, %get3A_207] : memref<4x2598x9xf32, #tpu.memory_space<vmem>>, vector<1x2598x9xf32>
    %get3A_209 = vector.shape_cast %get3A_208 : vector<1x2598x9xf32> to vector<2598x9xf32>
    %get3A_210 = arith.constant 2 : index
    %get3A_211 = arith.constant 0 : index
    %get3A_212 = arith.constant 0 : index
    %get3A_213 = vector.load %arg8[%get3A_210, %get3A_211, %get3A_212] : memref<4x2598x9xf32, #tpu.memory_space<vmem>>, vector<1x2598x9xf32>
    %get3A_214 = vector.shape_cast %get3A_213 : vector<1x2598x9xf32> to vector<2598x9xf32>
    %get3A_215 = arith.constant 3 : index
    %get3A_216 = arith.constant 0 : index
    %get3A_217 = arith.constant 0 : index
    %get3A_218 = vector.load %arg8[%get3A_215, %get3A_216, %get3A_217] : memref<4x2598x9xf32, #tpu.memory_space<vmem>>, vector<1x2598x9xf32>
    %get3A_219 = vector.shape_cast %get3A_218 : vector<1x2598x9xf32> to vector<2598x9xf32>
    %mul3A = arith.mulf %add3A_152, %get3A_214 : vector<2598x9xf32>
    %add3A_220 = arith.addf %mul3A, %get3A_204 : vector<2598x9xf32>
    %mul3A_221 = arith.mulf %add3A_166, %get3A_219 : vector<2598x9xf32>
    %add3A_222 = arith.addf %mul3A_221, %get3A_209 : vector<2598x9xf32>
    %exp3A_223 = math.exp %min3A_196 : vector<2598x9xf32>
    %mul3A_224 = arith.mulf %exp3A_223, %get3A_214 : vector<2598x9xf32>
    %exp3A_225 = math.exp %min3A_199 : vector<2598x9xf32>
    %mul3A_226 = arith.mulf %exp3A_225, %get3A_219 : vector<2598x9xf32>
    %mul3A_227 = arith.constant 5.000000e-01 : f32
    %mul3A_228 = vector.broadcast %mul3A_227 : f32 to vector<2598x9xf32>
    %mul3A_229 = arith.mulf %mul3A_228, %mul3A_224 : vector<2598x9xf32>
    %sub3A = arith.subf %add3A_220, %mul3A_229 : vector<2598x9xf32>
    %jit3A = arith.constant 0.000000e+00 : f32
    %jit3A_230 = arith.constant 8.000000e+02 : f32
    %max3A_231 = vector.broadcast %jit3A : f32 to vector<2598x9xf32>
    %max3A_232 = arith.maximumf %max3A_231, %sub3A : vector<2598x9xf32>
    %min3A_233 = vector.broadcast %jit3A_230 : f32 to vector<2598x9xf32>
    %min3A_234 = arith.minimumf %min3A_233, %max3A_232 : vector<2598x9xf32>
    %mul3A_235 = arith.constant 5.000000e-01 : f32
    %mul3A_236 = vector.broadcast %mul3A_235 : f32 to vector<2598x9xf32>
    %mul3A_237 = arith.mulf %mul3A_236, %mul3A_226 : vector<2598x9xf32>
    %sub3A_238 = arith.subf %add3A_222, %mul3A_237 : vector<2598x9xf32>
    %jit3A_239 = arith.constant 0.000000e+00 : f32
    %jit3A_240 = arith.constant 8.000000e+02 : f32
    %max3A_241 = vector.broadcast %jit3A_239 : f32 to vector<2598x9xf32>
    %max3A_242 = arith.maximumf %max3A_241, %sub3A_238 : vector<2598x9xf32>
    %min3A_243 = vector.broadcast %jit3A_240 : f32 to vector<2598x9xf32>
    %min3A_244 = arith.minimumf %min3A_243, %max3A_242 : vector<2598x9xf32>
    %mul3A_245 = arith.constant 5.000000e-01 : f32
    %mul3A_246 = vector.broadcast %mul3A_245 : f32 to vector<2598x9xf32>
    %mul3A_247 = arith.mulf %mul3A_246, %mul3A_224 : vector<2598x9xf32>
    %add3A_248 = arith.addf %add3A_220, %mul3A_247 : vector<2598x9xf32>
    %jit3A_249 = arith.constant 0.000000e+00 : f32
    %jit3A_250 = arith.constant 8.000000e+02 : f32
    %max3A_251 = vector.broadcast %jit3A_249 : f32 to vector<2598x9xf32>
    %max3A_252 = arith.maximumf %max3A_251, %add3A_248 : vector<2598x9xf32>
    %min3A_253 = vector.broadcast %jit3A_250 : f32 to vector<2598x9xf32>
    %min3A_254 = arith.minimumf %min3A_253, %max3A_252 : vector<2598x9xf32>
    %mul3A_255 = arith.constant 5.000000e-01 : f32
    %mul3A_256 = vector.broadcast %mul3A_255 : f32 to vector<2598x9xf32>
    %mul3A_257 = arith.mulf %mul3A_256, %mul3A_226 : vector<2598x9xf32>
    %add3A_258 = arith.addf %add3A_222, %mul3A_257 : vector<2598x9xf32>
    %jit3A_259 = arith.constant 0.000000e+00 : f32
    %jit3A_260 = arith.constant 8.000000e+02 : f32
    %max3A_261 = vector.broadcast %jit3A_259 : f32 to vector<2598x9xf32>
    %max3A_262 = arith.maximumf %max3A_261, %add3A_258 : vector<2598x9xf32>
    %min3A_263 = vector.broadcast %jit3A_260 : f32 to vector<2598x9xf32>
    %min3A_264 = arith.minimumf %min3A_263, %max3A_262 : vector<2598x9xf32>
    %sub3A_265 = arith.subf %min3A_254, %min3A_234 : vector<2598x9xf32>
    %sub3A_266 = arith.subf %min3A_264, %min3A_244 : vector<2598x9xf32>
    %ge3A = arith.constant 1.600000e+01 : f32
    %ge3A_267 = vector.broadcast %ge3A : f32 to vector<2598x9xf32>
    %ge3A_268 = arith.cmpf oge, %sub3A_265, %ge3A_267 : vector<2598x9xf32>
    %ge3A_269 = arith.constant 1.600000e+01 : f32
    %ge3A_270 = vector.broadcast %ge3A_269 : f32 to vector<2598x9xf32>
    %ge3A_271 = arith.cmpf oge, %sub3A_266, %ge3A_270 : vector<2598x9xf32>
    %and3A = arith.andi %ge3A_268, %ge3A_271 : vector<2598x9xi1>
    %ge3A_272 = arith.constant 0.000000e+00 : f32
    %ge3A_273 = vector.broadcast %ge3A_272 : f32 to vector<2598x9xf32>
    %ge3A_274 = arith.cmpf oge, %div3A_138, %ge3A_273 : vector<2598x9xf32>
    %and3A_275 = arith.andi %and3A, %ge3A_274 : vector<2598x9xi1>
    %jit3A_276 = arith.constant -1.000000e+09 : f32
    %broadcast_in_dim3A_277 = vector.broadcast %jit3A_276 : f32 to vector<2598x9xf32>
    %select_n3A = arith.select %and3A_275, %div3A_138, %broadcast_in_dim3A_277 : vector<2598x9xi1>, vector<2598x9xf32>
    %swap3A = arith.constant 0 : index
    %swap3A_278 = arith.constant 0 : index
    %swap3A_279 = arith.constant 0 : index
    %swap3A_280 = vector.load %arg9[%swap3A, %swap3A_278, %swap3A_279] : memref<1x2598x9xf32, #tpu.memory_space<vmem>>, vector<1x2598x9xf32>
    %swap3A_281 = vector.shape_cast %swap3A_280 : vector<1x2598x9xf32> to vector<2598x9xf32>
    %swap3A_282 = vector.shape_cast %select_n3A : vector<2598x9xf32> to vector<1x2598x9xf32>
    tpu.vector_store %arg9[%swap3A, %swap3A_278, %swap3A_279], %swap3A_282 {strides = array<i32>} : memref<1x2598x9xf32, #tpu.memory_space<vmem>>, vector<1x2598x9xf32>,
    %swap3A_283 = arith.constant 0 : index
    %swap3A_284 = arith.constant 0 : index
    %swap3A_285 = arith.constant 0 : index
    %swap3A_286 = vector.load %arg10[%swap3A_283, %swap3A_284, %swap3A_285] : memref<1x2598x9xf32, #tpu.memory_space<vmem>>, vector<1x2598x9xf32>
    %swap3A_287 = vector.shape_cast %swap3A_286 : vector<1x2598x9xf32> to vector<2598x9xf32>
    %swap3A_288 = vector.shape_cast %min3A_234 : vector<2598x9xf32> to vector<1x2598x9xf32>
    tpu.vector_store %arg10[%swap3A_283, %swap3A_284, %swap3A_285], %swap3A_288 {strides = array<i32>} : memref<1x2598x9xf32, #tpu.memory_space<vmem>>, vector<1x2598x9xf32>,
    %swap3A_289 = arith.constant 0 : index
    %swap3A_290 = arith.constant 0 : index
    %swap3A_291 = arith.constant 0 : index
    %swap3A_292 = vector.load %arg11[%swap3A_289, %swap3A_290, %swap3A_291] : memref<1x2598x9xf32, #tpu.memory_space<vmem>>, vector<1x2598x9xf32>
    %swap3A_293 = vector.shape_cast %swap3A_292 : vector<1x2598x9xf32> to vector<2598x9xf32>
    %swap3A_294 = vector.shape_cast %min3A_244 : vector<2598x9xf32> to vector<1x2598x9xf32>
    tpu.vector_store %arg11[%swap3A_289, %swap3A_290, %swap3A_291], %swap3A_294 {strides = array<i32>} : memref<1x2598x9xf32, #tpu.memory_space<vmem>>, vector<1x2598x9xf32>,
    %swap3A_295 = arith.constant 0 : index
    %swap3A_296 = arith.constant 0 : index
    %swap3A_297 = arith.constant 0 : index
    %swap3A_298 = vector.load %arg12[%swap3A_295, %swap3A_296, %swap3A_297] : memref<1x2598x9xf32, #tpu.memory_space<vmem>>, vector<1x2598x9xf32>
    %swap3A_299 = vector.shape_cast %swap3A_298 : vector<1x2598x9xf32> to vector<2598x9xf32>
    %swap3A_300 = vector.shape_cast %min3A_254 : vector<2598x9xf32> to vector<1x2598x9xf32>
    tpu.vector_store %arg12[%swap3A_295, %swap3A_296, %swap3A_297], %swap3A_300 {strides = array<i32>} : memref<1x2598x9xf32, #tpu.memory_space<vmem>>, vector<1x2598x9xf32>,
    %swap3A_301 = arith.constant 0 : index
    %swap3A_302 = arith.constant 0 : index
    %swap3A_303 = arith.constant 0 : index
    %swap3A_304 = vector.load %arg13[%swap3A_301, %swap3A_302, %swap3A_303] : memref<1x2598x9xf32, #tpu.memory_space<vmem>>, vector<1x2598x9xf32>
    %swap3A_305 = vector.shape_cast %swap3A_304 : vector<1x2598x9xf32> to vector<2598x9xf32>
    %swap3A_306 = vector.shape_cast %min3A_264 : vector<2598x9xf32> to vector<1x2598x9xf32>
    tpu.vector_store %arg13[%swap3A_301, %swap3A_302, %swap3A_303], %swap3A_306 {strides = array<i32>} : memref<1x2598x9xf32, #tpu.memory_space<vmem>>, vector<1x2598x9xf32>,
    return
  }
  func.func @transform_0(%arg0: i32) -> (i32, i32, i32) {
    %c0_i32 = arith.constant 0 : i32
    %c0_i32_0 = arith.constant 0 : i32
    %c0_i32_1 = arith.constant 0 : i32
    return %arg0, %c0_i32, %c0_i32_0 : i32, i32, i32
  }
  func.func @transform_1(%arg0: i32) -> (i32, i32, i32) {
    %c0_i32 = arith.constant 0 : i32
    %c0_i32_0 = arith.constant 0 : i32
    %c0_i32_1 = arith.constant 0 : i32
    %c0_i32_2 = arith.constant 0 : i32
    return %c0_i32, %c0_i32_0, %c0_i32_1 : i32, i32, i32
  }
  func.func @transform_2(%arg0: i32) -> (i32, i32) {
    %c0_i32 = arith.constant 0 : i32
    %c0_i32_0 = arith.constant 0 : i32
    %c0_i32_1 = arith.constant 0 : i32
    return %c0_i32, %c0_i32_0 : i32, i32
  }
  func.func @transform_3(%arg0: i32) -> (i32, i32) {
    %c0_i32 = arith.constant 0 : i32
    %c0_i32_0 = arith.constant 0 : i32
    %c0_i32_1 = arith.constant 0 : i32
    return %c0_i32, %c0_i32_0 : i32, i32
  }
  func.func @transform_4(%arg0: i32) -> (i32, i32) {
    %c0_i32 = arith.constant 0 : i32
    %c0_i32_0 = arith.constant 0 : i32
    %c0_i32_1 = arith.constant 0 : i32
    return %c0_i32, %c0_i32_0 : i32, i32
  }
  func.func @transform_5(%arg0: i32) -> (i32, i32, i32) {
    %c0_i32 = arith.constant 0 : i32
    %c0_i32_0 = arith.constant 0 : i32
    %c0_i32_1 = arith.constant 0 : i32
    %c0_i32_2 = arith.constant 0 : i32
    return %c0_i32, %c0_i32_0, %c0_i32_1 : i32, i32, i32
  }
  func.func @transform_6(%arg0: i32) -> (i32, i32, i32) {
    %c0_i32 = arith.constant 0 : i32
    %c0_i32_0 = arith.constant 0 : i32
    %c0_i32_1 = arith.constant 0 : i32
    %c0_i32_2 = arith.constant 0 : i32
    return %c0_i32, %c0_i32_0, %c0_i32_1 : i32, i32, i32
  }
  func.func @transform_7(%arg0: i32) -> (i32, i32, i32) {
    %c0_i32 = arith.constant 0 : i32
    %c0_i32_0 = arith.constant 0 : i32
    %c0_i32_1 = arith.constant 0 : i32
    %c0_i32_2 = arith.constant 0 : i32
    return %c0_i32, %c0_i32_0, %c0_i32_1 : i32, i32, i32
  }
  func.func @transform_8(%arg0: i32) -> (i32, i32, i32) {
    %c0_i32 = arith.constant 0 : i32
    %c0_i32_0 = arith.constant 0 : i32
    %c0_i32_1 = arith.constant 0 : i32
    return %arg0, %c0_i32, %c0_i32_0 : i32, i32, i32
  }
  func.func @transform_9(%arg0: i32) -> (i32, i32, i32) {
    %c0_i32 = arith.constant 0 : i32
    %c0_i32_0 = arith.constant 0 : i32
    %c0_i32_1 = arith.constant 0 : i32
    return %arg0, %c0_i32, %c0_i32_0 : i32, i32, i32
  }
  func.func @transform_10(%arg0: i32) -> (i32, i32, i32) {
    %c0_i32 = arith.constant 0 : i32
    %c0_i32_0 = arith.constant 0 : i32
    %c0_i32_1 = arith.constant 0 : i32
    return %arg0, %c0_i32, %c0_i32_0 : i32, i32, i32
  }
  func.func @transform_11(%arg0: i32) -> (i32, i32, i32) {
    %c0_i32 = arith.constant 0 : i32
    %c0_i32_0 = arith.constant 0 : i32
    %c0_i32_1 = arith.constant 0 : i32
    return %arg0, %c0_i32, %c0_i32_0 : i32, i32, i32
  }
  func.func @transform_12(%arg0: i32) -> (i32, i32, i32) {
    %c0_i32 = arith.constant 0 : i32
    %c0_i32_0 = arith.constant 0 : i32
    %c0_i32_1 = arith.constant 0 : i32
    return %arg0, %c0_i32, %c0_i32_0 : i32, i32, i32
  }
}

module attributes {stable_mosaic.version = 14 : i64} {
  func.func @_nms_body(%arg0: i32, %arg1: memref<1x1024x4xf32, #tpu.memory_space<vmem>>, %arg2: memref<1x4x1024xf32, #tpu.memory_space<vmem>>, %arg3: memref<1x1024x1xf32, #tpu.memory_space<vmem>>, %arg4: memref<1x1x1024xf32, #tpu.memory_space<vmem>>, %arg5: memref<1x304x4xf32, #tpu.memory_space<vmem>>, %arg6: memref<1x304x1xf32, #tpu.memory_space<vmem>>, %arg7: memref<1024x1024xf32, #tpu.memory_space<vmem>>) attributes {dimension_semantics = [#tpu.dimension_semantics<arbitrary>], iteration_bounds = array<i64: 2>, scalar_prefetch = 0 : i64, scratch_operands = 1 : i64, tpu.core_type = #tpu.core_type<tc>, window_params = [{transform_indices = @transform_0, window_bounds = array<i64: 1, 1024, 4>}, {transform_indices = @transform_1, window_bounds = array<i64: 1, 4, 1024>}, {transform_indices = @transform_2, window_bounds = array<i64: 1, 1024, 1>}, {transform_indices = @transform_3, window_bounds = array<i64: 1, 1, 1024>}, {transform_indices = @transform_4, window_bounds = array<i64: 1, 304, 4>}, {transform_indices = @transform_5, window_bounds = array<i64: 1, 304, 1>}]} {
    %get3A = arith.constant 0 : index
    %get3A_0 = arith.constant 0 : index
    %get3A_1 = arith.constant 0 : index
    %get3A_2 = vector.load %arg1[%get3A, %get3A_0, %get3A_1] : memref<1x1024x4xf32, #tpu.memory_space<vmem>>, vector<1x1024x4xf32>
    %get3A_3 = vector.shape_cast %get3A_2 : vector<1x1024x4xf32> to vector<1024x4xf32>
    %get3A_4 = arith.constant 0 : index
    %get3A_5 = arith.constant 0 : index
    %get3A_6 = arith.constant 0 : index
    %get3A_7 = vector.load %arg2[%get3A_4, %get3A_5, %get3A_6] : memref<1x4x1024xf32, #tpu.memory_space<vmem>>, vector<1x4x1024xf32>
    %get3A_8 = vector.shape_cast %get3A_7 : vector<1x4x1024xf32> to vector<4x1024xf32>
    %slice3A = vector.extract_strided_slice %get3A_3 {offsets = [0, 0], sizes = [1024, 1], strides = [1, 1]} : vector<1024x4xf32> to vector<1024x1xf32>
    %slice3A_9 = vector.extract_strided_slice %get3A_3 {offsets = [0, 1], sizes = [1024, 1], strides = [1, 1]} : vector<1024x4xf32> to vector<1024x1xf32>
    %slice3A_10 = vector.extract_strided_slice %get3A_3 {offsets = [0, 2], sizes = [1024, 1], strides = [1, 1]} : vector<1024x4xf32> to vector<1024x1xf32>
    %slice3A_11 = vector.extract_strided_slice %get3A_3 {offsets = [0, 3], sizes = [1024, 1], strides = [1, 1]} : vector<1024x4xf32> to vector<1024x1xf32>
    %slice3A_12 = vector.extract_strided_slice %get3A_8 {offsets = [0, 0], sizes = [1, 1024], strides = [1, 1]} : vector<4x1024xf32> to vector<1x1024xf32>
    %slice3A_13 = vector.extract_strided_slice %get3A_8 {offsets = [1, 0], sizes = [1, 1024], strides = [1, 1]} : vector<4x1024xf32> to vector<1x1024xf32>
    %slice3A_14 = vector.extract_strided_slice %get3A_8 {offsets = [2, 0], sizes = [1, 1024], strides = [1, 1]} : vector<4x1024xf32> to vector<1x1024xf32>
    %slice3A_15 = vector.extract_strided_slice %get3A_8 {offsets = [3, 0], sizes = [1, 1024], strides = [1, 1]} : vector<4x1024xf32> to vector<1x1024xf32>
    %sub3A = arith.subf %slice3A_10, %slice3A : vector<1024x1xf32>
    %sub3A_16 = arith.subf %slice3A_11, %slice3A_9 : vector<1024x1xf32>
    %mul3A = arith.mulf %sub3A, %sub3A_16 : vector<1024x1xf32>
    %sub3A_17 = arith.subf %slice3A_14, %slice3A_12 : vector<1x1024xf32>
    %sub3A_18 = arith.subf %slice3A_15, %slice3A_13 : vector<1x1024xf32>
    %mul3A_19 = arith.mulf %sub3A_17, %sub3A_18 : vector<1x1024xf32>
    %min3A = vector.broadcast %slice3A_10 : vector<1024x1xf32> to vector<1024x1024xf32>
    %min3A_20 = vector.broadcast %slice3A_14 : vector<1x1024xf32> to vector<1024x1024xf32>
    %min3A_21 = arith.minimumf %min3A, %min3A_20 : vector<1024x1024xf32>
    %max3A = vector.broadcast %slice3A : vector<1024x1xf32> to vector<1024x1024xf32>
    %max3A_22 = vector.broadcast %slice3A_12 : vector<1x1024xf32> to vector<1024x1024xf32>
    %max3A_23 = arith.maximumf %max3A, %max3A_22 : vector<1024x1024xf32>
    %sub3A_24 = arith.subf %min3A_21, %max3A_23 : vector<1024x1024xf32>
    %max3A_25 = arith.constant 0.000000e+00 : f32
    %max3A_26 = vector.broadcast %max3A_25 : f32 to vector<1024x1024xf32>
    %max3A_27 = arith.maximumf %sub3A_24, %max3A_26 : vector<1024x1024xf32>
    %min3A_28 = vector.broadcast %slice3A_11 : vector<1024x1xf32> to vector<1024x1024xf32>
    %min3A_29 = vector.broadcast %slice3A_15 : vector<1x1024xf32> to vector<1024x1024xf32>
    %min3A_30 = arith.minimumf %min3A_28, %min3A_29 : vector<1024x1024xf32>
    %max3A_31 = vector.broadcast %slice3A_9 : vector<1024x1xf32> to vector<1024x1024xf32>
    %max3A_32 = vector.broadcast %slice3A_13 : vector<1x1024xf32> to vector<1024x1024xf32>
    %max3A_33 = arith.maximumf %max3A_31, %max3A_32 : vector<1024x1024xf32>
    %sub3A_34 = arith.subf %min3A_30, %max3A_33 : vector<1024x1024xf32>
    %max3A_35 = arith.constant 0.000000e+00 : f32
    %max3A_36 = vector.broadcast %max3A_35 : f32 to vector<1024x1024xf32>
    %max3A_37 = arith.maximumf %sub3A_34, %max3A_36 : vector<1024x1024xf32>
    %mul3A_38 = arith.mulf %max3A_27, %max3A_37 : vector<1024x1024xf32>
    %add3A = vector.broadcast %mul3A : vector<1024x1xf32> to vector<1024x1024xf32>
    %add3A_39 = vector.broadcast %mul3A_19 : vector<1x1024xf32> to vector<1024x1024xf32>
    %add3A_40 = arith.addf %add3A, %add3A_39 : vector<1024x1024xf32>
    %sub3A_41 = arith.subf %add3A_40, %mul3A_38 : vector<1024x1024xf32>
    %add3A_42 = arith.constant 9.99999971E-10 : f32
    %add3A_43 = vector.broadcast %add3A_42 : f32 to vector<1024x1024xf32>
    %add3A_44 = arith.addf %sub3A_41, %add3A_43 : vector<1024x1024xf32>
    %div3A = arith.divf %mul3A_38, %add3A_44 : vector<1024x1024xf32>
    %iota3A = tpu.iota {dimensions = array<i32: 0>} : vector<1024x1024xi32>
    %iota3A_45 = tpu.iota {dimensions = array<i32: 1>} : vector<1024x1024xi32>
    %gt3A = arith.constant 0.699999988 : f32
    %gt3A_46 = vector.broadcast %gt3A : f32 to vector<1024x1024xf32>
    %gt3A_47 = arith.cmpf ogt, %div3A, %gt3A_46 : vector<1024x1024xf32>
    %gt3A_48 = arith.cmpi sgt, %iota3A_45, %iota3A : vector<1024x1024xi32>
    %and3A = arith.andi %gt3A_47, %gt3A_48 : vector<1024x1024xi1>
    %jit3A = arith.constant 1.000000e+00 : f32
    %jit3A_49 = arith.constant 0.000000e+00 : f32
    %broadcast_in_dim3A = vector.broadcast %jit3A : f32 to vector<1024x1024xf32>
    %broadcast_in_dim3A_50 = vector.broadcast %jit3A_49 : f32 to vector<1024x1024xf32>
    %select_n3A = arith.select %and3A, %broadcast_in_dim3A, %broadcast_in_dim3A_50 : vector<1024x1024xi1>, vector<1024x1024xf32>
    %swap3A = arith.constant 0 : index
    %swap3A_51 = arith.constant 0 : index
    %swap3A_52 = vector.load %arg7[%swap3A, %swap3A_51] : memref<1024x1024xf32, #tpu.memory_space<vmem>>, vector<1024x1024xf32>
    tpu.vector_store %arg7[%swap3A, %swap3A_51], %select_n3A {strides = array<i32>} : memref<1024x1024xf32, #tpu.memory_space<vmem>>, vector<1024x1024xf32>,
    %iota3A_53 = tpu.iota {dimensions = array<i32: 1>} : vector<1x128xi32>
    %broadcast_in_dim3A_54 = arith.constant 1.000000e+00 : f32
    %broadcast_in_dim3A_55 = vector.broadcast %broadcast_in_dim3A_54 : f32 to vector<1x1024xf32>
    %slice3A_56 = vector.extract_strided_slice %broadcast_in_dim3A_55 {offsets = [0, 0], sizes = [1, 128], strides = [1, 1]} : vector<1x1024xf32> to vector<1x128xf32>
    %scan3A = arith.constant 0 : i32
    %scan3A_57 = arith.constant 128 : i32
    %scan3A_58 = arith.addi %scan3A, %scan3A_57 : i32
    %scan3A_59 = arith.constant 1 : i32
    %scan3A_60 = scf.for %scan3A_254 = %scan3A to %scan3A_58 step %scan3A_59 iter_args(%scan3A_255 = %slice3A_56) -> (vector<1x128xf32>)  : i32 {
      %add3A_256 = arith.constant 0 : i32
      %add3A_257 = arith.addi %add3A_256, %scan3A_254 : i32
      %get3A_258 = arith.index_cast %add3A_257 : i32 to index
      %get3A_259 = arith.constant 0 : index
      %get3A_260 = vector.load %arg7[%get3A_258, %get3A_259] : memref<1024x1024xf32, #tpu.memory_space<vmem>>, vector<1x1024xf32>
      %slice3A_261 = vector.extract_strided_slice %get3A_260 {offsets = [0, 0], sizes = [1, 128], strides = [1, 1]} : vector<1x1024xf32> to vector<1x128xf32>
      %eq3A = vector.broadcast %scan3A_254 : i32 to vector<1x128xi32>
      %eq3A_262 = arith.cmpi eq, %iota3A_53, %eq3A : vector<1x128xi32>
      %jit3A_263 = arith.constant 1.000000e+00 : f32
      %jit3A_264 = arith.constant 0.000000e+00 : f32
      %broadcast_in_dim3A_265 = vector.broadcast %jit3A_263 : f32 to vector<1x128xf32>
      %broadcast_in_dim3A_266 = vector.broadcast %jit3A_264 : f32 to vector<1x128xf32>
      %select_n3A_267 = arith.select %eq3A_262, %broadcast_in_dim3A_265, %broadcast_in_dim3A_266 : vector<1x128xi1>, vector<1x128xf32>
      %mul3A_268 = arith.mulf %scan3A_255, %select_n3A_267 : vector<1x128xf32>
      %reduce_sum3A = vector.shape_cast %mul3A_268 : vector<1x128xf32> to vector<1x1x128xf32>
      %reduce_sum3A_269 = arith.constant dense<0.000000e+00> : vector<1xf32>
      %reduce_sum3A_270 = vector.multi_reduction <add>, %reduce_sum3A, %reduce_sum3A_269 [1, 2] : vector<1x1x128xf32> to vector<1xf32>
      %reduce_sum3A_271 = vector.shape_cast %reduce_sum3A_270 : vector<1xf32> to vector<1x1x1xf32>
      %reduce_sum3A_272 = vector.extract %reduce_sum3A_271[0, 0, 0] : f32 from vector<1x1x1xf32>
      %mul3A_273 = vector.broadcast %reduce_sum3A_272 : f32 to vector<1x128xf32>
      %mul3A_274 = arith.mulf %mul3A_273, %slice3A_261 : vector<1x128xf32>
      %sub3A_275 = arith.constant 1.000000e+00 : f32
      %sub3A_276 = vector.broadcast %sub3A_275 : f32 to vector<1x128xf32>
      %sub3A_277 = arith.subf %sub3A_276, %mul3A_274 : vector<1x128xf32>
      %mul3A_278 = arith.mulf %scan3A_255, %sub3A_277 : vector<1x128xf32>
      scf.yield %mul3A_278 : vector<1x128xf32>
    }
    %scan3A_61 = arith.constant 128 : i32
    %get3A_62 = arith.constant 0 : index
    %get3A_63 = arith.constant 0 : index
    %get3A_64 = vector.load %arg7[%get3A_62, %get3A_63] : memref<1024x1024xf32, #tpu.memory_space<vmem>>, vector<128x1024xf32>
    %dot_general3A = arith.constant dense<0.000000e+00> : vector<1x1024xf32>
    %dot_general3A_65 = tpu.matmul %scan3A_60, %get3A_64, %dot_general3A {dimension_numbers = #tpu.dot_dimension_numbers<[1], [0], [0], [1], [0, 0, 1, 1], [], []>, transpose_lhs_hint = false} : vector<1x128xf32>, vector<128x1024xf32>, vector<1x1024xf32> -> vector<1x1024xf32>
    %ge3A = arith.constant 5.000000e-01 : f32
    %ge3A_66 = vector.broadcast %ge3A : f32 to vector<1x1024xf32>
    %ge3A_67 = arith.cmpf oge, %dot_general3A_65, %ge3A_66 : vector<1x1024xf32>
    %jit3A_68 = arith.constant 0.000000e+00 : f32
    %broadcast_in_dim3A_69 = vector.broadcast %jit3A_68 : f32 to vector<1x1024xf32>
    %select_n3A_70 = arith.select %ge3A_67, %broadcast_in_dim3A_69, %broadcast_in_dim3A_55 : vector<1x1024xi1>, vector<1x1024xf32>
    %slice3A_71 = vector.extract_strided_slice %select_n3A_70 {offsets = [0, 128], sizes = [1, 128], strides = [1, 1]} : vector<1x1024xf32> to vector<1x128xf32>
    %scan3A_72 = arith.constant 0 : i32
    %scan3A_73 = arith.constant 128 : i32
    %scan3A_74 = arith.addi %scan3A_72, %scan3A_73 : i32
    %scan3A_75 = arith.constant 1 : i32
    %scan3A_76 = scf.for %scan3A_254 = %scan3A_72 to %scan3A_74 step %scan3A_75 iter_args(%scan3A_255 = %slice3A_71) -> (vector<1x128xf32>)  : i32 {
      %add3A_256 = arith.constant 128 : i32
      %add3A_257 = arith.addi %add3A_256, %scan3A_254 : i32
      %get3A_258 = arith.index_cast %add3A_257 : i32 to index
      %get3A_259 = arith.constant 0 : index
      %get3A_260 = vector.load %arg7[%get3A_258, %get3A_259] : memref<1024x1024xf32, #tpu.memory_space<vmem>>, vector<1x1024xf32>
      %slice3A_261 = vector.extract_strided_slice %get3A_260 {offsets = [0, 128], sizes = [1, 128], strides = [1, 1]} : vector<1x1024xf32> to vector<1x128xf32>
      %eq3A = vector.broadcast %scan3A_254 : i32 to vector<1x128xi32>
      %eq3A_262 = arith.cmpi eq, %iota3A_53, %eq3A : vector<1x128xi32>
      %jit3A_263 = arith.constant 1.000000e+00 : f32
      %jit3A_264 = arith.constant 0.000000e+00 : f32
      %broadcast_in_dim3A_265 = vector.broadcast %jit3A_263 : f32 to vector<1x128xf32>
      %broadcast_in_dim3A_266 = vector.broadcast %jit3A_264 : f32 to vector<1x128xf32>
      %select_n3A_267 = arith.select %eq3A_262, %broadcast_in_dim3A_265, %broadcast_in_dim3A_266 : vector<1x128xi1>, vector<1x128xf32>
      %mul3A_268 = arith.mulf %scan3A_255, %select_n3A_267 : vector<1x128xf32>
      %reduce_sum3A = vector.shape_cast %mul3A_268 : vector<1x128xf32> to vector<1x1x128xf32>
      %reduce_sum3A_269 = arith.constant dense<0.000000e+00> : vector<1xf32>
      %reduce_sum3A_270 = vector.multi_reduction <add>, %reduce_sum3A, %reduce_sum3A_269 [1, 2] : vector<1x1x128xf32> to vector<1xf32>
      %reduce_sum3A_271 = vector.shape_cast %reduce_sum3A_270 : vector<1xf32> to vector<1x1x1xf32>
      %reduce_sum3A_272 = vector.extract %reduce_sum3A_271[0, 0, 0] : f32 from vector<1x1x1xf32>
      %mul3A_273 = vector.broadcast %reduce_sum3A_272 : f32 to vector<1x128xf32>
      %mul3A_274 = arith.mulf %mul3A_273, %slice3A_261 : vector<1x128xf32>
      %sub3A_275 = arith.constant 1.000000e+00 : f32
      %sub3A_276 = vector.broadcast %sub3A_275 : f32 to vector<1x128xf32>
      %sub3A_277 = arith.subf %sub3A_276, %mul3A_274 : vector<1x128xf32>
      %mul3A_278 = arith.mulf %scan3A_255, %sub3A_277 : vector<1x128xf32>
      scf.yield %mul3A_278 : vector<1x128xf32>
    }
    %scan3A_77 = arith.constant 128 : i32
    %get3A_78 = arith.constant 128 : index
    %get3A_79 = arith.constant 0 : index
    %get3A_80 = vector.load %arg7[%get3A_78, %get3A_79] : memref<1024x1024xf32, #tpu.memory_space<vmem>>, vector<128x1024xf32>
    %dot_general3A_81 = arith.constant dense<0.000000e+00> : vector<1x1024xf32>
    %dot_general3A_82 = tpu.matmul %scan3A_76, %get3A_80, %dot_general3A_81 {dimension_numbers = #tpu.dot_dimension_numbers<[1], [0], [0], [1], [0, 0, 1, 1], [], []>, transpose_lhs_hint = false} : vector<1x128xf32>, vector<128x1024xf32>, vector<1x1024xf32> -> vector<1x1024xf32>
    %ge3A_83 = arith.constant 5.000000e-01 : f32
    %ge3A_84 = vector.broadcast %ge3A_83 : f32 to vector<1x1024xf32>
    %ge3A_85 = arith.cmpf oge, %dot_general3A_82, %ge3A_84 : vector<1x1024xf32>
    %jit3A_86 = arith.constant 0.000000e+00 : f32
    %broadcast_in_dim3A_87 = vector.broadcast %jit3A_86 : f32 to vector<1x1024xf32>
    %select_n3A_88 = arith.select %ge3A_85, %broadcast_in_dim3A_87, %select_n3A_70 : vector<1x1024xi1>, vector<1x1024xf32>
    %slice3A_89 = vector.extract_strided_slice %select_n3A_88 {offsets = [0, 256], sizes = [1, 128], strides = [1, 1]} : vector<1x1024xf32> to vector<1x128xf32>
    %scan3A_90 = arith.constant 0 : i32
    %scan3A_91 = arith.constant 128 : i32
    %scan3A_92 = arith.addi %scan3A_90, %scan3A_91 : i32
    %scan3A_93 = arith.constant 1 : i32
    %scan3A_94 = scf.for %scan3A_254 = %scan3A_90 to %scan3A_92 step %scan3A_93 iter_args(%scan3A_255 = %slice3A_89) -> (vector<1x128xf32>)  : i32 {
      %add3A_256 = arith.constant 256 : i32
      %add3A_257 = arith.addi %add3A_256, %scan3A_254 : i32
      %get3A_258 = arith.index_cast %add3A_257 : i32 to index
      %get3A_259 = arith.constant 0 : index
      %get3A_260 = vector.load %arg7[%get3A_258, %get3A_259] : memref<1024x1024xf32, #tpu.memory_space<vmem>>, vector<1x1024xf32>
      %slice3A_261 = vector.extract_strided_slice %get3A_260 {offsets = [0, 256], sizes = [1, 128], strides = [1, 1]} : vector<1x1024xf32> to vector<1x128xf32>
      %eq3A = vector.broadcast %scan3A_254 : i32 to vector<1x128xi32>
      %eq3A_262 = arith.cmpi eq, %iota3A_53, %eq3A : vector<1x128xi32>
      %jit3A_263 = arith.constant 1.000000e+00 : f32
      %jit3A_264 = arith.constant 0.000000e+00 : f32
      %broadcast_in_dim3A_265 = vector.broadcast %jit3A_263 : f32 to vector<1x128xf32>
      %broadcast_in_dim3A_266 = vector.broadcast %jit3A_264 : f32 to vector<1x128xf32>
      %select_n3A_267 = arith.select %eq3A_262, %broadcast_in_dim3A_265, %broadcast_in_dim3A_266 : vector<1x128xi1>, vector<1x128xf32>
      %mul3A_268 = arith.mulf %scan3A_255, %select_n3A_267 : vector<1x128xf32>
      %reduce_sum3A = vector.shape_cast %mul3A_268 : vector<1x128xf32> to vector<1x1x128xf32>
      %reduce_sum3A_269 = arith.constant dense<0.000000e+00> : vector<1xf32>
      %reduce_sum3A_270 = vector.multi_reduction <add>, %reduce_sum3A, %reduce_sum3A_269 [1, 2] : vector<1x1x128xf32> to vector<1xf32>
      %reduce_sum3A_271 = vector.shape_cast %reduce_sum3A_270 : vector<1xf32> to vector<1x1x1xf32>
      %reduce_sum3A_272 = vector.extract %reduce_sum3A_271[0, 0, 0] : f32 from vector<1x1x1xf32>
      %mul3A_273 = vector.broadcast %reduce_sum3A_272 : f32 to vector<1x128xf32>
      %mul3A_274 = arith.mulf %mul3A_273, %slice3A_261 : vector<1x128xf32>
      %sub3A_275 = arith.constant 1.000000e+00 : f32
      %sub3A_276 = vector.broadcast %sub3A_275 : f32 to vector<1x128xf32>
      %sub3A_277 = arith.subf %sub3A_276, %mul3A_274 : vector<1x128xf32>
      %mul3A_278 = arith.mulf %scan3A_255, %sub3A_277 : vector<1x128xf32>
      scf.yield %mul3A_278 : vector<1x128xf32>
    }
    %scan3A_95 = arith.constant 128 : i32
    %get3A_96 = arith.constant 256 : index
    %get3A_97 = arith.constant 0 : index
    %get3A_98 = vector.load %arg7[%get3A_96, %get3A_97] : memref<1024x1024xf32, #tpu.memory_space<vmem>>, vector<128x1024xf32>
    %dot_general3A_99 = arith.constant dense<0.000000e+00> : vector<1x1024xf32>
    %dot_general3A_100 = tpu.matmul %scan3A_94, %get3A_98, %dot_general3A_99 {dimension_numbers = #tpu.dot_dimension_numbers<[1], [0], [0], [1], [0, 0, 1, 1], [], []>, transpose_lhs_hint = false} : vector<1x128xf32>, vector<128x1024xf32>, vector<1x1024xf32> -> vector<1x1024xf32>
    %ge3A_101 = arith.constant 5.000000e-01 : f32
    %ge3A_102 = vector.broadcast %ge3A_101 : f32 to vector<1x1024xf32>
    %ge3A_103 = arith.cmpf oge, %dot_general3A_100, %ge3A_102 : vector<1x1024xf32>
    %jit3A_104 = arith.constant 0.000000e+00 : f32
    %broadcast_in_dim3A_105 = vector.broadcast %jit3A_104 : f32 to vector<1x1024xf32>
    %select_n3A_106 = arith.select %ge3A_103, %broadcast_in_dim3A_105, %select_n3A_88 : vector<1x1024xi1>, vector<1x1024xf32>
    %slice3A_107 = vector.extract_strided_slice %select_n3A_106 {offsets = [0, 384], sizes = [1, 128], strides = [1, 1]} : vector<1x1024xf32> to vector<1x128xf32>
    %scan3A_108 = arith.constant 0 : i32
    %scan3A_109 = arith.constant 128 : i32
    %scan3A_110 = arith.addi %scan3A_108, %scan3A_109 : i32
    %scan3A_111 = arith.constant 1 : i32
    %scan3A_112 = scf.for %scan3A_254 = %scan3A_108 to %scan3A_110 step %scan3A_111 iter_args(%scan3A_255 = %slice3A_107) -> (vector<1x128xf32>)  : i32 {
      %add3A_256 = arith.constant 384 : i32
      %add3A_257 = arith.addi %add3A_256, %scan3A_254 : i32
      %get3A_258 = arith.index_cast %add3A_257 : i32 to index
      %get3A_259 = arith.constant 0 : index
      %get3A_260 = vector.load %arg7[%get3A_258, %get3A_259] : memref<1024x1024xf32, #tpu.memory_space<vmem>>, vector<1x1024xf32>
      %slice3A_261 = vector.extract_strided_slice %get3A_260 {offsets = [0, 384], sizes = [1, 128], strides = [1, 1]} : vector<1x1024xf32> to vector<1x128xf32>
      %eq3A = vector.broadcast %scan3A_254 : i32 to vector<1x128xi32>
      %eq3A_262 = arith.cmpi eq, %iota3A_53, %eq3A : vector<1x128xi32>
      %jit3A_263 = arith.constant 1.000000e+00 : f32
      %jit3A_264 = arith.constant 0.000000e+00 : f32
      %broadcast_in_dim3A_265 = vector.broadcast %jit3A_263 : f32 to vector<1x128xf32>
      %broadcast_in_dim3A_266 = vector.broadcast %jit3A_264 : f32 to vector<1x128xf32>
      %select_n3A_267 = arith.select %eq3A_262, %broadcast_in_dim3A_265, %broadcast_in_dim3A_266 : vector<1x128xi1>, vector<1x128xf32>
      %mul3A_268 = arith.mulf %scan3A_255, %select_n3A_267 : vector<1x128xf32>
      %reduce_sum3A = vector.shape_cast %mul3A_268 : vector<1x128xf32> to vector<1x1x128xf32>
      %reduce_sum3A_269 = arith.constant dense<0.000000e+00> : vector<1xf32>
      %reduce_sum3A_270 = vector.multi_reduction <add>, %reduce_sum3A, %reduce_sum3A_269 [1, 2] : vector<1x1x128xf32> to vector<1xf32>
      %reduce_sum3A_271 = vector.shape_cast %reduce_sum3A_270 : vector<1xf32> to vector<1x1x1xf32>
      %reduce_sum3A_272 = vector.extract %reduce_sum3A_271[0, 0, 0] : f32 from vector<1x1x1xf32>
      %mul3A_273 = vector.broadcast %reduce_sum3A_272 : f32 to vector<1x128xf32>
      %mul3A_274 = arith.mulf %mul3A_273, %slice3A_261 : vector<1x128xf32>
      %sub3A_275 = arith.constant 1.000000e+00 : f32
      %sub3A_276 = vector.broadcast %sub3A_275 : f32 to vector<1x128xf32>
      %sub3A_277 = arith.subf %sub3A_276, %mul3A_274 : vector<1x128xf32>
      %mul3A_278 = arith.mulf %scan3A_255, %sub3A_277 : vector<1x128xf32>
      scf.yield %mul3A_278 : vector<1x128xf32>
    }
    %scan3A_113 = arith.constant 128 : i32
    %get3A_114 = arith.constant 384 : index
    %get3A_115 = arith.constant 0 : index
    %get3A_116 = vector.load %arg7[%get3A_114, %get3A_115] : memref<1024x1024xf32, #tpu.memory_space<vmem>>, vector<128x1024xf32>
    %dot_general3A_117 = arith.constant dense<0.000000e+00> : vector<1x1024xf32>
    %dot_general3A_118 = tpu.matmul %scan3A_112, %get3A_116, %dot_general3A_117 {dimension_numbers = #tpu.dot_dimension_numbers<[1], [0], [0], [1], [0, 0, 1, 1], [], []>, transpose_lhs_hint = false} : vector<1x128xf32>, vector<128x1024xf32>, vector<1x1024xf32> -> vector<1x1024xf32>
    %ge3A_119 = arith.constant 5.000000e-01 : f32
    %ge3A_120 = vector.broadcast %ge3A_119 : f32 to vector<1x1024xf32>
    %ge3A_121 = arith.cmpf oge, %dot_general3A_118, %ge3A_120 : vector<1x1024xf32>
    %jit3A_122 = arith.constant 0.000000e+00 : f32
    %broadcast_in_dim3A_123 = vector.broadcast %jit3A_122 : f32 to vector<1x1024xf32>
    %select_n3A_124 = arith.select %ge3A_121, %broadcast_in_dim3A_123, %select_n3A_106 : vector<1x1024xi1>, vector<1x1024xf32>
    %slice3A_125 = vector.extract_strided_slice %select_n3A_124 {offsets = [0, 512], sizes = [1, 128], strides = [1, 1]} : vector<1x1024xf32> to vector<1x128xf32>
    %scan3A_126 = arith.constant 0 : i32
    %scan3A_127 = arith.constant 128 : i32
    %scan3A_128 = arith.addi %scan3A_126, %scan3A_127 : i32
    %scan3A_129 = arith.constant 1 : i32
    %scan3A_130 = scf.for %scan3A_254 = %scan3A_126 to %scan3A_128 step %scan3A_129 iter_args(%scan3A_255 = %slice3A_125) -> (vector<1x128xf32>)  : i32 {
      %add3A_256 = arith.constant 512 : i32
      %add3A_257 = arith.addi %add3A_256, %scan3A_254 : i32
      %get3A_258 = arith.index_cast %add3A_257 : i32 to index
      %get3A_259 = arith.constant 0 : index
      %get3A_260 = vector.load %arg7[%get3A_258, %get3A_259] : memref<1024x1024xf32, #tpu.memory_space<vmem>>, vector<1x1024xf32>
      %slice3A_261 = vector.extract_strided_slice %get3A_260 {offsets = [0, 512], sizes = [1, 128], strides = [1, 1]} : vector<1x1024xf32> to vector<1x128xf32>
      %eq3A = vector.broadcast %scan3A_254 : i32 to vector<1x128xi32>
      %eq3A_262 = arith.cmpi eq, %iota3A_53, %eq3A : vector<1x128xi32>
      %jit3A_263 = arith.constant 1.000000e+00 : f32
      %jit3A_264 = arith.constant 0.000000e+00 : f32
      %broadcast_in_dim3A_265 = vector.broadcast %jit3A_263 : f32 to vector<1x128xf32>
      %broadcast_in_dim3A_266 = vector.broadcast %jit3A_264 : f32 to vector<1x128xf32>
      %select_n3A_267 = arith.select %eq3A_262, %broadcast_in_dim3A_265, %broadcast_in_dim3A_266 : vector<1x128xi1>, vector<1x128xf32>
      %mul3A_268 = arith.mulf %scan3A_255, %select_n3A_267 : vector<1x128xf32>
      %reduce_sum3A = vector.shape_cast %mul3A_268 : vector<1x128xf32> to vector<1x1x128xf32>
      %reduce_sum3A_269 = arith.constant dense<0.000000e+00> : vector<1xf32>
      %reduce_sum3A_270 = vector.multi_reduction <add>, %reduce_sum3A, %reduce_sum3A_269 [1, 2] : vector<1x1x128xf32> to vector<1xf32>
      %reduce_sum3A_271 = vector.shape_cast %reduce_sum3A_270 : vector<1xf32> to vector<1x1x1xf32>
      %reduce_sum3A_272 = vector.extract %reduce_sum3A_271[0, 0, 0] : f32 from vector<1x1x1xf32>
      %mul3A_273 = vector.broadcast %reduce_sum3A_272 : f32 to vector<1x128xf32>
      %mul3A_274 = arith.mulf %mul3A_273, %slice3A_261 : vector<1x128xf32>
      %sub3A_275 = arith.constant 1.000000e+00 : f32
      %sub3A_276 = vector.broadcast %sub3A_275 : f32 to vector<1x128xf32>
      %sub3A_277 = arith.subf %sub3A_276, %mul3A_274 : vector<1x128xf32>
      %mul3A_278 = arith.mulf %scan3A_255, %sub3A_277 : vector<1x128xf32>
      scf.yield %mul3A_278 : vector<1x128xf32>
    }
    %scan3A_131 = arith.constant 128 : i32
    %get3A_132 = arith.constant 512 : index
    %get3A_133 = arith.constant 0 : index
    %get3A_134 = vector.load %arg7[%get3A_132, %get3A_133] : memref<1024x1024xf32, #tpu.memory_space<vmem>>, vector<128x1024xf32>
    %dot_general3A_135 = arith.constant dense<0.000000e+00> : vector<1x1024xf32>
    %dot_general3A_136 = tpu.matmul %scan3A_130, %get3A_134, %dot_general3A_135 {dimension_numbers = #tpu.dot_dimension_numbers<[1], [0], [0], [1], [0, 0, 1, 1], [], []>, transpose_lhs_hint = false} : vector<1x128xf32>, vector<128x1024xf32>, vector<1x1024xf32> -> vector<1x1024xf32>
    %ge3A_137 = arith.constant 5.000000e-01 : f32
    %ge3A_138 = vector.broadcast %ge3A_137 : f32 to vector<1x1024xf32>
    %ge3A_139 = arith.cmpf oge, %dot_general3A_136, %ge3A_138 : vector<1x1024xf32>
    %jit3A_140 = arith.constant 0.000000e+00 : f32
    %broadcast_in_dim3A_141 = vector.broadcast %jit3A_140 : f32 to vector<1x1024xf32>
    %select_n3A_142 = arith.select %ge3A_139, %broadcast_in_dim3A_141, %select_n3A_124 : vector<1x1024xi1>, vector<1x1024xf32>
    %slice3A_143 = vector.extract_strided_slice %select_n3A_142 {offsets = [0, 640], sizes = [1, 128], strides = [1, 1]} : vector<1x1024xf32> to vector<1x128xf32>
    %scan3A_144 = arith.constant 0 : i32
    %scan3A_145 = arith.constant 128 : i32
    %scan3A_146 = arith.addi %scan3A_144, %scan3A_145 : i32
    %scan3A_147 = arith.constant 1 : i32
    %scan3A_148 = scf.for %scan3A_254 = %scan3A_144 to %scan3A_146 step %scan3A_147 iter_args(%scan3A_255 = %slice3A_143) -> (vector<1x128xf32>)  : i32 {
      %add3A_256 = arith.constant 640 : i32
      %add3A_257 = arith.addi %add3A_256, %scan3A_254 : i32
      %get3A_258 = arith.index_cast %add3A_257 : i32 to index
      %get3A_259 = arith.constant 0 : index
      %get3A_260 = vector.load %arg7[%get3A_258, %get3A_259] : memref<1024x1024xf32, #tpu.memory_space<vmem>>, vector<1x1024xf32>
      %slice3A_261 = vector.extract_strided_slice %get3A_260 {offsets = [0, 640], sizes = [1, 128], strides = [1, 1]} : vector<1x1024xf32> to vector<1x128xf32>
      %eq3A = vector.broadcast %scan3A_254 : i32 to vector<1x128xi32>
      %eq3A_262 = arith.cmpi eq, %iota3A_53, %eq3A : vector<1x128xi32>
      %jit3A_263 = arith.constant 1.000000e+00 : f32
      %jit3A_264 = arith.constant 0.000000e+00 : f32
      %broadcast_in_dim3A_265 = vector.broadcast %jit3A_263 : f32 to vector<1x128xf32>
      %broadcast_in_dim3A_266 = vector.broadcast %jit3A_264 : f32 to vector<1x128xf32>
      %select_n3A_267 = arith.select %eq3A_262, %broadcast_in_dim3A_265, %broadcast_in_dim3A_266 : vector<1x128xi1>, vector<1x128xf32>
      %mul3A_268 = arith.mulf %scan3A_255, %select_n3A_267 : vector<1x128xf32>
      %reduce_sum3A = vector.shape_cast %mul3A_268 : vector<1x128xf32> to vector<1x1x128xf32>
      %reduce_sum3A_269 = arith.constant dense<0.000000e+00> : vector<1xf32>
      %reduce_sum3A_270 = vector.multi_reduction <add>, %reduce_sum3A, %reduce_sum3A_269 [1, 2] : vector<1x1x128xf32> to vector<1xf32>
      %reduce_sum3A_271 = vector.shape_cast %reduce_sum3A_270 : vector<1xf32> to vector<1x1x1xf32>
      %reduce_sum3A_272 = vector.extract %reduce_sum3A_271[0, 0, 0] : f32 from vector<1x1x1xf32>
      %mul3A_273 = vector.broadcast %reduce_sum3A_272 : f32 to vector<1x128xf32>
      %mul3A_274 = arith.mulf %mul3A_273, %slice3A_261 : vector<1x128xf32>
      %sub3A_275 = arith.constant 1.000000e+00 : f32
      %sub3A_276 = vector.broadcast %sub3A_275 : f32 to vector<1x128xf32>
      %sub3A_277 = arith.subf %sub3A_276, %mul3A_274 : vector<1x128xf32>
      %mul3A_278 = arith.mulf %scan3A_255, %sub3A_277 : vector<1x128xf32>
      scf.yield %mul3A_278 : vector<1x128xf32>
    }
    %scan3A_149 = arith.constant 128 : i32
    %get3A_150 = arith.constant 640 : index
    %get3A_151 = arith.constant 0 : index
    %get3A_152 = vector.load %arg7[%get3A_150, %get3A_151] : memref<1024x1024xf32, #tpu.memory_space<vmem>>, vector<128x1024xf32>
    %dot_general3A_153 = arith.constant dense<0.000000e+00> : vector<1x1024xf32>
    %dot_general3A_154 = tpu.matmul %scan3A_148, %get3A_152, %dot_general3A_153 {dimension_numbers = #tpu.dot_dimension_numbers<[1], [0], [0], [1], [0, 0, 1, 1], [], []>, transpose_lhs_hint = false} : vector<1x128xf32>, vector<128x1024xf32>, vector<1x1024xf32> -> vector<1x1024xf32>
    %ge3A_155 = arith.constant 5.000000e-01 : f32
    %ge3A_156 = vector.broadcast %ge3A_155 : f32 to vector<1x1024xf32>
    %ge3A_157 = arith.cmpf oge, %dot_general3A_154, %ge3A_156 : vector<1x1024xf32>
    %jit3A_158 = arith.constant 0.000000e+00 : f32
    %broadcast_in_dim3A_159 = vector.broadcast %jit3A_158 : f32 to vector<1x1024xf32>
    %select_n3A_160 = arith.select %ge3A_157, %broadcast_in_dim3A_159, %select_n3A_142 : vector<1x1024xi1>, vector<1x1024xf32>
    %slice3A_161 = vector.extract_strided_slice %select_n3A_160 {offsets = [0, 768], sizes = [1, 128], strides = [1, 1]} : vector<1x1024xf32> to vector<1x128xf32>
    %scan3A_162 = arith.constant 0 : i32
    %scan3A_163 = arith.constant 128 : i32
    %scan3A_164 = arith.addi %scan3A_162, %scan3A_163 : i32
    %scan3A_165 = arith.constant 1 : i32
    %scan3A_166 = scf.for %scan3A_254 = %scan3A_162 to %scan3A_164 step %scan3A_165 iter_args(%scan3A_255 = %slice3A_161) -> (vector<1x128xf32>)  : i32 {
      %add3A_256 = arith.constant 768 : i32
      %add3A_257 = arith.addi %add3A_256, %scan3A_254 : i32
      %get3A_258 = arith.index_cast %add3A_257 : i32 to index
      %get3A_259 = arith.constant 0 : index
      %get3A_260 = vector.load %arg7[%get3A_258, %get3A_259] : memref<1024x1024xf32, #tpu.memory_space<vmem>>, vector<1x1024xf32>
      %slice3A_261 = vector.extract_strided_slice %get3A_260 {offsets = [0, 768], sizes = [1, 128], strides = [1, 1]} : vector<1x1024xf32> to vector<1x128xf32>
      %eq3A = vector.broadcast %scan3A_254 : i32 to vector<1x128xi32>
      %eq3A_262 = arith.cmpi eq, %iota3A_53, %eq3A : vector<1x128xi32>
      %jit3A_263 = arith.constant 1.000000e+00 : f32
      %jit3A_264 = arith.constant 0.000000e+00 : f32
      %broadcast_in_dim3A_265 = vector.broadcast %jit3A_263 : f32 to vector<1x128xf32>
      %broadcast_in_dim3A_266 = vector.broadcast %jit3A_264 : f32 to vector<1x128xf32>
      %select_n3A_267 = arith.select %eq3A_262, %broadcast_in_dim3A_265, %broadcast_in_dim3A_266 : vector<1x128xi1>, vector<1x128xf32>
      %mul3A_268 = arith.mulf %scan3A_255, %select_n3A_267 : vector<1x128xf32>
      %reduce_sum3A = vector.shape_cast %mul3A_268 : vector<1x128xf32> to vector<1x1x128xf32>
      %reduce_sum3A_269 = arith.constant dense<0.000000e+00> : vector<1xf32>
      %reduce_sum3A_270 = vector.multi_reduction <add>, %reduce_sum3A, %reduce_sum3A_269 [1, 2] : vector<1x1x128xf32> to vector<1xf32>
      %reduce_sum3A_271 = vector.shape_cast %reduce_sum3A_270 : vector<1xf32> to vector<1x1x1xf32>
      %reduce_sum3A_272 = vector.extract %reduce_sum3A_271[0, 0, 0] : f32 from vector<1x1x1xf32>
      %mul3A_273 = vector.broadcast %reduce_sum3A_272 : f32 to vector<1x128xf32>
      %mul3A_274 = arith.mulf %mul3A_273, %slice3A_261 : vector<1x128xf32>
      %sub3A_275 = arith.constant 1.000000e+00 : f32
      %sub3A_276 = vector.broadcast %sub3A_275 : f32 to vector<1x128xf32>
      %sub3A_277 = arith.subf %sub3A_276, %mul3A_274 : vector<1x128xf32>
      %mul3A_278 = arith.mulf %scan3A_255, %sub3A_277 : vector<1x128xf32>
      scf.yield %mul3A_278 : vector<1x128xf32>
    }
    %scan3A_167 = arith.constant 128 : i32
    %get3A_168 = arith.constant 768 : index
    %get3A_169 = arith.constant 0 : index
    %get3A_170 = vector.load %arg7[%get3A_168, %get3A_169] : memref<1024x1024xf32, #tpu.memory_space<vmem>>, vector<128x1024xf32>
    %dot_general3A_171 = arith.constant dense<0.000000e+00> : vector<1x1024xf32>
    %dot_general3A_172 = tpu.matmul %scan3A_166, %get3A_170, %dot_general3A_171 {dimension_numbers = #tpu.dot_dimension_numbers<[1], [0], [0], [1], [0, 0, 1, 1], [], []>, transpose_lhs_hint = false} : vector<1x128xf32>, vector<128x1024xf32>, vector<1x1024xf32> -> vector<1x1024xf32>
    %ge3A_173 = arith.constant 5.000000e-01 : f32
    %ge3A_174 = vector.broadcast %ge3A_173 : f32 to vector<1x1024xf32>
    %ge3A_175 = arith.cmpf oge, %dot_general3A_172, %ge3A_174 : vector<1x1024xf32>
    %jit3A_176 = arith.constant 0.000000e+00 : f32
    %broadcast_in_dim3A_177 = vector.broadcast %jit3A_176 : f32 to vector<1x1024xf32>
    %select_n3A_178 = arith.select %ge3A_175, %broadcast_in_dim3A_177, %select_n3A_160 : vector<1x1024xi1>, vector<1x1024xf32>
    %slice3A_179 = vector.extract_strided_slice %select_n3A_178 {offsets = [0, 896], sizes = [1, 128], strides = [1, 1]} : vector<1x1024xf32> to vector<1x128xf32>
    %scan3A_180 = arith.constant 0 : i32
    %scan3A_181 = arith.constant 128 : i32
    %scan3A_182 = arith.addi %scan3A_180, %scan3A_181 : i32
    %scan3A_183 = arith.constant 1 : i32
    %scan3A_184 = scf.for %scan3A_254 = %scan3A_180 to %scan3A_182 step %scan3A_183 iter_args(%scan3A_255 = %slice3A_179) -> (vector<1x128xf32>)  : i32 {
      %add3A_256 = arith.constant 896 : i32
      %add3A_257 = arith.addi %add3A_256, %scan3A_254 : i32
      %get3A_258 = arith.index_cast %add3A_257 : i32 to index
      %get3A_259 = arith.constant 0 : index
      %get3A_260 = vector.load %arg7[%get3A_258, %get3A_259] : memref<1024x1024xf32, #tpu.memory_space<vmem>>, vector<1x1024xf32>
      %slice3A_261 = vector.extract_strided_slice %get3A_260 {offsets = [0, 896], sizes = [1, 128], strides = [1, 1]} : vector<1x1024xf32> to vector<1x128xf32>
      %eq3A = vector.broadcast %scan3A_254 : i32 to vector<1x128xi32>
      %eq3A_262 = arith.cmpi eq, %iota3A_53, %eq3A : vector<1x128xi32>
      %jit3A_263 = arith.constant 1.000000e+00 : f32
      %jit3A_264 = arith.constant 0.000000e+00 : f32
      %broadcast_in_dim3A_265 = vector.broadcast %jit3A_263 : f32 to vector<1x128xf32>
      %broadcast_in_dim3A_266 = vector.broadcast %jit3A_264 : f32 to vector<1x128xf32>
      %select_n3A_267 = arith.select %eq3A_262, %broadcast_in_dim3A_265, %broadcast_in_dim3A_266 : vector<1x128xi1>, vector<1x128xf32>
      %mul3A_268 = arith.mulf %scan3A_255, %select_n3A_267 : vector<1x128xf32>
      %reduce_sum3A = vector.shape_cast %mul3A_268 : vector<1x128xf32> to vector<1x1x128xf32>
      %reduce_sum3A_269 = arith.constant dense<0.000000e+00> : vector<1xf32>
      %reduce_sum3A_270 = vector.multi_reduction <add>, %reduce_sum3A, %reduce_sum3A_269 [1, 2] : vector<1x1x128xf32> to vector<1xf32>
      %reduce_sum3A_271 = vector.shape_cast %reduce_sum3A_270 : vector<1xf32> to vector<1x1x1xf32>
      %reduce_sum3A_272 = vector.extract %reduce_sum3A_271[0, 0, 0] : f32 from vector<1x1x1xf32>
      %mul3A_273 = vector.broadcast %reduce_sum3A_272 : f32 to vector<1x128xf32>
      %mul3A_274 = arith.mulf %mul3A_273, %slice3A_261 : vector<1x128xf32>
      %sub3A_275 = arith.constant 1.000000e+00 : f32
      %sub3A_276 = vector.broadcast %sub3A_275 : f32 to vector<1x128xf32>
      %sub3A_277 = arith.subf %sub3A_276, %mul3A_274 : vector<1x128xf32>
      %mul3A_278 = arith.mulf %scan3A_255, %sub3A_277 : vector<1x128xf32>
      scf.yield %mul3A_278 : vector<1x128xf32>
    }
    %scan3A_185 = arith.constant 128 : i32
    %get3A_186 = arith.constant 896 : index
    %get3A_187 = arith.constant 0 : index
    %get3A_188 = vector.load %arg7[%get3A_186, %get3A_187] : memref<1024x1024xf32, #tpu.memory_space<vmem>>, vector<128x1024xf32>
    %dot_general3A_189 = arith.constant dense<0.000000e+00> : vector<1x1024xf32>
    %dot_general3A_190 = tpu.matmul %scan3A_184, %get3A_188, %dot_general3A_189 {dimension_numbers = #tpu.dot_dimension_numbers<[1], [0], [0], [1], [0, 0, 1, 1], [], []>, transpose_lhs_hint = false} : vector<1x128xf32>, vector<128x1024xf32>, vector<1x1024xf32> -> vector<1x1024xf32>
    %ge3A_191 = arith.constant 5.000000e-01 : f32
    %ge3A_192 = vector.broadcast %ge3A_191 : f32 to vector<1x1024xf32>
    %ge3A_193 = arith.cmpf oge, %dot_general3A_190, %ge3A_192 : vector<1x1024xf32>
    %jit3A_194 = arith.constant 0.000000e+00 : f32
    %broadcast_in_dim3A_195 = vector.broadcast %jit3A_194 : f32 to vector<1x1024xf32>
    %select_n3A_196 = arith.select %ge3A_193, %broadcast_in_dim3A_195, %select_n3A_178 : vector<1x1024xi1>, vector<1x1024xf32>
    %get3A_197 = arith.constant 0 : index
    %get3A_198 = arith.constant 0 : index
    %get3A_199 = arith.constant 0 : index
    %get3A_200 = vector.load %arg4[%get3A_197, %get3A_198, %get3A_199] : memref<1x1x1024xf32, #tpu.memory_space<vmem>>, vector<1x1x1024xf32>
    %get3A_201 = vector.shape_cast %get3A_200 : vector<1x1x1024xf32> to vector<1x1024xf32>
    %gt3A_202 = arith.constant -1.000000e+08 : f32
    %gt3A_203 = vector.broadcast %gt3A_202 : f32 to vector<1x1024xf32>
    %gt3A_204 = arith.cmpf ogt, %get3A_201, %gt3A_203 : vector<1x1024xf32>
    %jit3A_205 = arith.constant 1.000000e+00 : f32
    %jit3A_206 = arith.constant 0.000000e+00 : f32
    %broadcast_in_dim3A_207 = vector.broadcast %jit3A_205 : f32 to vector<1x1024xf32>
    %broadcast_in_dim3A_208 = vector.broadcast %jit3A_206 : f32 to vector<1x1024xf32>
    %select_n3A_209 = arith.select %gt3A_204, %broadcast_in_dim3A_207, %broadcast_in_dim3A_208 : vector<1x1024xi1>, vector<1x1024xf32>
    %mul3A_210 = arith.mulf %select_n3A_196, %select_n3A_209 : vector<1x1024xf32>
    %le3A = arith.cmpi sle, %iota3A, %iota3A_45 : vector<1024x1024xi32>
    %jit3A_211 = arith.constant 1.000000e+00 : f32
    %jit3A_212 = arith.constant 0.000000e+00 : f32
    %broadcast_in_dim3A_213 = vector.broadcast %jit3A_211 : f32 to vector<1024x1024xf32>
    %broadcast_in_dim3A_214 = vector.broadcast %jit3A_212 : f32 to vector<1024x1024xf32>
    %select_n3A_215 = arith.select %le3A, %broadcast_in_dim3A_213, %broadcast_in_dim3A_214 : vector<1024x1024xi1>, vector<1024x1024xf32>
    %dot_general3A_216 = arith.constant dense<0.000000e+00> : vector<1x1024xf32>
    %dot_general3A_217 = tpu.matmul %mul3A_210, %select_n3A_215, %dot_general3A_216 {dimension_numbers = #tpu.dot_dimension_numbers<[1], [0], [0], [1], [0, 0, 1, 1], [], []>, transpose_lhs_hint = false} : vector<1x1024xf32>, vector<1024x1024xf32>, vector<1x1024xf32> -> vector<1x1024xf32>
    %iota3A_218 = tpu.iota {dimensions = array<i32: 0>} : vector<304x1024xi32>
    %convert_element_type3A = arith.sitofp %iota3A_218 : vector<304x1024xi32> to vector<304x1024xf32>
    %add3A_219 = arith.constant 1.000000e+00 : f32
    %add3A_220 = vector.broadcast %add3A_219 : f32 to vector<304x1024xf32>
    %add3A_221 = arith.addf %convert_element_type3A, %add3A_220 : vector<304x1024xf32>
    %sub3A_222 = vector.broadcast %dot_general3A_217 : vector<1x1024xf32> to vector<304x1024xf32>
    %sub3A_223 = arith.subf %sub3A_222, %add3A_221 : vector<304x1024xf32>
    %abs3A = math.absf %sub3A_223 : vector<304x1024xf32>
    %lt3A = arith.constant 5.000000e-01 : f32
    %lt3A_224 = vector.broadcast %lt3A : f32 to vector<304x1024xf32>
    %lt3A_225 = arith.cmpf olt, %abs3A, %lt3A_224 : vector<304x1024xf32>
    %jit3A_226 = arith.constant 1.000000e+00 : f32
    %jit3A_227 = arith.constant 0.000000e+00 : f32
    %broadcast_in_dim3A_228 = vector.broadcast %jit3A_226 : f32 to vector<304x1024xf32>
    %broadcast_in_dim3A_229 = vector.broadcast %jit3A_227 : f32 to vector<304x1024xf32>
    %select_n3A_230 = arith.select %lt3A_225, %broadcast_in_dim3A_228, %broadcast_in_dim3A_229 : vector<304x1024xi1>, vector<304x1024xf32>
    %mul3A_231 = vector.broadcast %mul3A_210 : vector<1x1024xf32> to vector<304x1024xf32>
    %mul3A_232 = arith.mulf %select_n3A_230, %mul3A_231 : vector<304x1024xf32>
    %dot_general3A_233 = arith.constant dense<0.000000e+00> : vector<304x4xf32>
    %dot_general3A_234 = tpu.matmul %mul3A_232, %get3A_3, %dot_general3A_233 {dimension_numbers = #tpu.dot_dimension_numbers<[1], [0], [0], [1], [0, 0, 1, 1], [], []>, precision = #tpu.contract_precision<fp32>, transpose_lhs_hint = false} : vector<304x1024xf32>, vector<1024x4xf32>, vector<304x4xf32> -> vector<304x4xf32>
    %swap3A_235 = arith.constant 0 : index
    %swap3A_236 = arith.constant 0 : index
    %swap3A_237 = arith.constant 0 : index
    %swap3A_238 = vector.load %arg5[%swap3A_235, %swap3A_236, %swap3A_237] : memref<1x304x4xf32, #tpu.memory_space<vmem>>, vector<1x304x4xf32>
    %swap3A_239 = vector.shape_cast %swap3A_238 : vector<1x304x4xf32> to vector<304x4xf32>
    %swap3A_240 = vector.shape_cast %dot_general3A_234 : vector<304x4xf32> to vector<1x304x4xf32>
    tpu.vector_store %arg5[%swap3A_235, %swap3A_236, %swap3A_237], %swap3A_240 {strides = array<i32>} : memref<1x304x4xf32, #tpu.memory_space<vmem>>, vector<1x304x4xf32>,
    %get3A_241 = arith.constant 0 : index
    %get3A_242 = arith.constant 0 : index
    %get3A_243 = arith.constant 0 : index
    %get3A_244 = vector.load %arg3[%get3A_241, %get3A_242, %get3A_243] : memref<1x1024x1xf32, #tpu.memory_space<vmem>>, vector<1x1024x1xf32>
    %get3A_245 = vector.shape_cast %get3A_244 : vector<1x1024x1xf32> to vector<1024x1xf32>
    %dot_general3A_246 = arith.constant dense<0.000000e+00> : vector<304x1xf32>
    %dot_general3A_247 = tpu.matmul %mul3A_232, %get3A_245, %dot_general3A_246 {dimension_numbers = #tpu.dot_dimension_numbers<[1], [0], [0], [1], [0, 0, 1, 1], [], []>, precision = #tpu.contract_precision<fp32>, transpose_lhs_hint = false} : vector<304x1024xf32>, vector<1024x1xf32>, vector<304x1xf32> -> vector<304x1xf32>
    %swap3A_248 = arith.constant 0 : index
    %swap3A_249 = arith.constant 0 : index
    %swap3A_250 = arith.constant 0 : index
    %swap3A_251 = vector.load %arg6[%swap3A_248, %swap3A_249, %swap3A_250] : memref<1x304x1xf32, #tpu.memory_space<vmem>>, vector<1x304x1xf32>
    %swap3A_252 = vector.shape_cast %swap3A_251 : vector<1x304x1xf32> to vector<304x1xf32>
    %swap3A_253 = vector.shape_cast %dot_general3A_247 : vector<304x1xf32> to vector<1x304x1xf32>
    tpu.vector_store %arg6[%swap3A_248, %swap3A_249, %swap3A_250], %swap3A_253 {strides = array<i32>} : memref<1x304x1xf32, #tpu.memory_space<vmem>>, vector<1x304x1xf32>,
    return
  }
  func.func @transform_0(%arg0: i32) -> (i32, i32, i32) {
    %c0_i32 = arith.constant 0 : i32
    %c0_i32_0 = arith.constant 0 : i32
    %c0_i32_1 = arith.constant 0 : i32
    return %arg0, %c0_i32, %c0_i32_0 : i32, i32, i32
  }
  func.func @transform_1(%arg0: i32) -> (i32, i32, i32) {
    %c0_i32 = arith.constant 0 : i32
    %c0_i32_0 = arith.constant 0 : i32
    %c0_i32_1 = arith.constant 0 : i32
    return %arg0, %c0_i32, %c0_i32_0 : i32, i32, i32
  }
  func.func @transform_2(%arg0: i32) -> (i32, i32, i32) {
    %c0_i32 = arith.constant 0 : i32
    %c0_i32_0 = arith.constant 0 : i32
    %c0_i32_1 = arith.constant 0 : i32
    return %arg0, %c0_i32, %c0_i32_0 : i32, i32, i32
  }
  func.func @transform_3(%arg0: i32) -> (i32, i32, i32) {
    %c0_i32 = arith.constant 0 : i32
    %c0_i32_0 = arith.constant 0 : i32
    %c0_i32_1 = arith.constant 0 : i32
    return %arg0, %c0_i32, %c0_i32_0 : i32, i32, i32
  }
  func.func @transform_4(%arg0: i32) -> (i32, i32, i32) {
    %c0_i32 = arith.constant 0 : i32
    %c0_i32_0 = arith.constant 0 : i32
    %c0_i32_1 = arith.constant 0 : i32
    return %arg0, %c0_i32, %c0_i32_0 : i32, i32, i32
  }
  func.func @transform_5(%arg0: i32) -> (i32, i32, i32) {
    %c0_i32 = arith.constant 0 : i32
    %c0_i32_0 = arith.constant 0 : i32
    %c0_i32_1 = arith.constant 0 : i32
    return %arg0, %c0_i32, %c0_i32_0 : i32, i32, i32
  }
}

</mosaic_0001>

<sc_bundles>
// kernel: gather_offload_async_start
scs
__scs_entry_jumppad:
0x0: {  	(pc) =	sbr.rel $0x88, $3  }
0x1: {  	(tag) =	ssettag $0x0;
	lr =	simm.s32 $0x1  }
0x2: {  	[smem:$0x3F9A] =	sst lr;
	_ =	strace $0xD0000000  }
0x3: {  	_ = 	snop  }
0x4: {  	_ = 	snop  }
0x5: {  	_ = 	snop  }
0x6: {  	_ = 	snop  }
0x7: {  	_ = 	snop  }
__scs_overlays_trampoline_lowered:
0x8: {  	[smem:$0x3FA9] =	sst s0  }
0x9: {  	[smem:$0x3FAA] =	sst s1  }
0xa: {  	[smem:$0x3FAB] =	sst s2  }
0xb: {  	[smem:$0x3FAC] =	sst s3  }
0xc: {  	[smem:$0x3FAD] =	sst s4  }
0xd: {  	[smem:$0x3FAE] =	sst s5  }
0xe: {  	[smem:$0x3FAF] =	sst s6  }
0xf: {  	[smem:$0x3FB0] =	sst s7  }
0x10: {  	[smem:$0x3FB1] =	sst s8  }
0x11: {  	[smem:$0x3FB2] =	sst s9;
	s0 =	simm.s32 @!p0 $0x0  }
0x12: {  	s1 =	sld [smem:$0x3F98];
	s0 =	simm.s32 @p0 $0x1  }
0x13: {  	[smem:$0x3FB3] =	sst s0;
	s0 =	simm.s32 @!p1 $0x0  }
0x14: {  	s2 =	sld [smem:$0x3F97];
	s0 =	simm.s32 @p1 $0x1  }
0x15: {  	[smem:$0x3FB4] =	sst s0;
	s0 =	simm.s32 @!p2 $0x0  }
0x16: {  	s3 =	sld [smem:$0x3FDB];
	s0 =	simm.s32 @p2 $0x1  }
0x17: {  	s4 =	simm.s32 $0x1BF5;
	[smem:$0x3FB6] =	sst s0  }
0x18: {  	s0 =	sld [smem:$0x3F99];
	_ =	swait.ge [sflag:s4], $0x0  }
0x19: {  	s7 =	sld [smem:$0x3F9A]  }
0x1a: {  	s8 =	sadd.s32 $0xFFFFE003, lr  }
0x1b: {  	s9 =	sadd.s32 $0xFFFFFEF7, lr;
	s5 =	simm.s32 $0xFFFFFFFF;
	p2 =	slt.u32 s8, $0xFFFFF086  }
0x1c: {  	p1 =	slt.u32 s9, $0xF7A;
	s5 =	simm.s32 @!p2 $0x0  }
0x1d: {  	s5 =	simm.s32 @p1 $0x1;
	p0 =	seq.s32 s7, s2  }
0x1e: {  	s7 =	smul.u32 @!p0 $0xF7A, s2;
	p2 =	seq.s32 @!p0 s5, $0x0  }
0x1f: {  	s9 =	smul.u32 $0xF7A, s1;
	s8 =	simm.s32 @!p0 $0x1BF5;
	p2 =	por !p2, p0  }
0x20: {  	[sflag:s8] =	ssyncset.s32 @!p0 $0xFFFFF086;
	s6 =	sadd.s32 @!p0 s3, s7;
	s7 =	simm.s32 @!p0 $0x108  }
0x21: {  	s3 =	sadd.s32 s3, s9;
	s6 =	sadd.s32 @!p0 $0x88, s6;
	s7 =	simm.s32 @p2 $0x1082  }
0x22: {  	[simem:s7], [sflag:s8] =	dma.local @!p0 [hbm:s6], $0xF7A  }
0x23: {  	s9 =	sor.u32 $0xD0000000, s2;
	s6 =	simm.s32 $0x108;
	_ =	swait.ge @!p0 [sflag:s8], $0x0  }
0x24: {  	s3 =	sadd.s32 $0x88, s3;
	s6 =	simm.s32 @!p1 $0x1082;
	[sflag:s4] =	ssyncset.s32 $0xFFFFF086  }
0x25: {  	[simem:s6], [sflag:s4] =	dma.local [hbm:s3], $0xF7A  }
0x26: {  	[smem:$0x3F9A] =	sst s1;
	(tag) =	ssettag s2;
	_ =	strace s9  }
0x27: {  	s1 =	sld [smem:$0x3FAA]  }
0x28: {  	s2 =	sld [smem:$0x3FAB]  }
0x29: {  	s4 =	sld [smem:$0x3FAD]  }
0x2a: {  	p0 =	seq.s32 s5, $0x0;
	s5 =	sld [smem:$0x3FAE]  }
0x2b: {  	s6 =	sld [smem:$0x3FAF]  }
0x2c: {  	s7 =	sld [smem:$0x3FB0]  }
0x2d: {  	s3 =	simm.s32 $0x108;
	s8 =	sld [smem:$0x3FB1]  }
0x2e: {  	s3 =	simm.s32 @!p0 $0x1082;
	s9 =	sld [smem:$0x3FB2]  }
0x2f: {  	lr =	sadd.s32 s0, s3;
	s0 =	sld [smem:$0x3FA9]  }
0x30: {  	s3 =	sld [smem:$0x3FAC]  }
0x31: {  	[smem:$0x3FB5] =	sst s10  }
0x32: {  	s10 =	sld [smem:$0x3FB3];
	_ =	sdelay $0x3  }
0x33: {  	p0 =	seq.s32 s10, $0x1;
	s10 =	sld [smem:$0x3FB5];
	_ =	sdelay $0x3  }
0x34: {  	[smem:$0x3FB5] =	sst s10  }
0x35: {  	s10 =	sld [smem:$0x3FB4];
	_ =	sdelay $0x3  }
0x36: {  	p1 =	seq.s32 s10, $0x1;
	s10 =	sld [smem:$0x3FB5];
	_ =	sdelay $0x3  }
0x37: {  	[smem:$0x3FB5] =	sst s10  }
0x38: {  	s10 =	sld [smem:$0x3FB6]  }
0x39: {  	_ = 	snop;
	(pc) =	sbr.ind lr, $3  }
0x3a: {  	_ = 	snop  }
0x3b: {  	_ = 	snop  }
0x3c: {  	p2 =	seq.s32 s10, $0x1;
	s10 =	sld [smem:$0x3FB5]  }
0x3d: {  	_ =	shalt  }
0x3e: {  	_ =	shalt  }
0x3f: {  	_ =	shalt  }
0x40: {  	_ =	shalt  }
0x41: {  	_ =	shalt  }
0x42: {  	_ =	shalt  }
0x43: {  	_ =	shalt  }
0x44: {  	_ =	shalt  }
0x45: {  	_ =	shalt  }
0x46: {  	_ =	shalt  }
0x47: {  	_ =	shalt  }
0x48: {  	_ =	shalt  }
0x49: {  	_ =	shalt  }
0x4a: {  	_ =	shalt  }
0x4b: {  	_ =	shalt  }
0x4c: {  	_ =	shalt  }
0x4d: {  	_ =	shalt  }
0x4e: {  	_ =	shalt  }
0x4f: {  	_ =	shalt  }
0x50: {  	_ =	shalt  }
0x51: {  	_ =	shalt  }
0x52: {  	_ =	shalt  }
0x53: {  	_ =	shalt  }
0x54: {  	_ =	shalt  }
0x55: {  	_ =	shalt  }
0x56: {  	_ =	shalt  }
0x57: {  	_ =	shalt  }
0x58: {  	_ =	shalt  }
0x59: {  	_ =	shalt  }
0x5a: {  	_ =	shalt  }
0x5b: {  	_ =	shalt  }
0x5c: {  	_ =	shalt  }
0x5d: {  	_ =	shalt  }
0x5e: {  	_ =	shalt  }
0x5f: {  	_ =	shalt  }
0x60: {  	_ =	shalt  }
0x61: {  	_ =	shalt  }
0x62: {  	_ =	shalt  }
0x63: {  	_ =	shalt  }
0x64: {  	_ =	shalt  }
0x65: {  	_ =	shalt  }
0x66: {  	_ =	shalt  }
0x67: {  	_ =	shalt  }
0x68: {  	_ =	shalt  }
0x69: {  	_ =	shalt  }
0x6a: {  	_ =	shalt  }
0x6b: {  	_ =	shalt  }
0x6c: {  	_ =	shalt  }
0x6d: {  	_ =	shalt  }
0x6e: {  	_ =	shalt  }
0x6f: {  	_ =	shalt  }
0x70: {  	_ =	shalt  }
0x71: {  	_ =	shalt  }
0x72: {  	_ =	shalt  }
0x73: {  	_ =	shalt  }
0x74: {  	_ =	shalt  }
0x75: {  	_ =	shalt  }
0x76: {  	_ =	shalt  }
0x77: {  	_ =	shalt  }
0x78: {  	_ =	shalt  }
0x79: {  	_ =	shalt  }
0x7a: {  	_ =	shalt  }
0x7b: {  	_ =	shalt  }
0x7c: {  	_ =	shalt  }
0x7d: {  	_ =	shalt  }
0x7e: {  	_ =	shalt  }
0x7f: {  	_ =	shalt  }
0x80: {  	_ =	shalt  }
0x81: {  	_ =	shalt  }
0x82: {  	_ =	shalt  }
0x83: {  	_ =	shalt  }
0x84: {  	_ =	shalt  }
0x85: {  	_ =	shalt  }
0x86: {  	_ =	shalt  }
0x87: {  	_ =	shalt  }
.Lfunc_end0:
.L_simem_size_0:
called_computation_lowered:
.L_overlay_start_0:
0x88: {  	s0 =	sld [smem:$0x3FD9]  }
0x89: {  	s1 =	sld [smem:$0x3FFE];
	_ =	sdelay $0x3  }
0x8a: {  	s0 =	sadd.s32 s1, s0  }
0x8b: {  	[smem:$0x3FC1] =	sst s0  }
0x8c: {  	_ = 	snop  }
0x8d: {  	s0 =	sld [smem:$0x3FD0];
	(tm) =	ssettm $0x1  }
0x8e: {  	s16 =	sld [smem:$0x3FFB];
	_ =	sdelay $0x3  }
0x8f: {  	_ =	strace s16  }
0x90: {  	s1 =	sld [smem:$0x3FFC];
	_ =	sdelay $0x3  }
0x91: {  	_ =	strace s1  }
0x92: {  	s1 =	sld [smem:$0x3FFD];
	_ =	sdelay $0x3  }
0x93: {  	_ =	strace s1  }
0x94: {  	_ =	strace $0x8FFFFFFF  }
0x95: {  	s17 =	sld [smem:$0x3FDB];
	_ =	sdelay $0x1  }
0x96: {  	s2 =	simm.s32 $_scs_section_size  }
0x97: {  	s3 =	simm.s32 $_size__tile_overlayer_lowered;
	s4 =	simm.s32 $_tile_overlayer_lowered  }
0x98: {  	s20 =	simm.s32 $0x1BFF;
	s19 =	sshll.u32 s4, $0x1;
	s1 =	sadd.s32 s2, s17  }
0x99: {  	s5 =	simm.s32 $0x0;
	s18 =	sshll.u32 s3, $0x1;
	s3 =	sadd.s32 s19, s1  }
0x9a: {  	[timem:s5], [sflag:s20] =	dma.local [hbm:s3], s18  }
0x9b: {  	_ =	swait.ge [sflag:s20], s18  }
0x9c: {  	s2 =	ssub.s32 $0x0, s18;
	[sflag:s20] =	ssyncset.done $0x0  }
0x9d: {  	[sflag:s20] =	ssyncadd.s32 s2;
	_ =	sdelay $0x1  }
0x9e: {  	s21 =	simm.s32 $0x1B8B  }
0x9f: {  	_ =	swait.ge [sflag:s21], $0x1  }
0xa0: {  	[sflag:s21] =	ssyncset.done $0x0  }
0xa1: {  	s23 =	simm.s32 $0x1B8E;
	s22 =	sld [smem:$0x3FFE];
	[sflag:s21] =	ssyncadd.s32 $0xFFFFFFFF  }
0xa2: {  	s24 =	simm.s32 $execute0_lowered;
	[smem:$0x3FD2] =	sst s23  }
0xa3: {  	s3 =	sshll.u32 s24, $0x1;
	_ =	strace $0x80000046;
	[dreg:$0x1] =	wrdreg $0xFFFFFFFF  }
0xa4: {  	s25 =	simm.s32 $_size_execute0_lowered;
	s1 =	sadd.s32 s1, s3;
	[dreg:$0x0] =	wrdreg $0x0  }
0xa5: {  	s3 =	sshll.u32 s25, $0x1;
	[dreg:$0x2] =	wrdreg s1  }
0xa6: {  	[dreg:$0x3] =	wrdreg s3  }
0xa7: {  	[dreg:$0x4] =	wrdreg $0xC0  }
0xa8: {  	_ =	task [dreg:s5], $0x5FFFF  }
0xa9: {  	[dreg:$0x1] =	wrdreg $0xFFFFFFFF  }
0xaa: {  	[dreg:$0x0] =	wrdreg $0x60  }
0xab: {  	[dreg:$0x2] =	wrdreg s22  }
0xac: {  	[dreg:$0x3] =	wrdreg s0  }
0xad: {  	[dreg:$0x4] =	wrdreg $0x9  }
0xae: {  	_ =	task.clear_ibuf [dreg:s5], $0x5FFFF;
	_ =	strace $0x90000046  }
0xaf: {  	s26 =	simm.s32 $0x9;
	_ =	strace $0x80000048  }
0xb0: {  	_ =	swait.ge [sflag:s26], $0x1  }
0xb1: {  	[sflag:s26] =	ssyncadd.s32 $0xFFFFFFFF  }
0xb2: {  	_ =	strace $0x90000048  }
0xb3: {  	_ =	sfence  }
0xb4: {  	s28 =	sld [smem:$0x0];
	_ =	sdelay $0x1  }
0xb5: {  	s29 =	srdreg.scid  }
0xb6: {  	s30 =	sshll.u32 s29, $0xD;
	s31 =	sshrl.u32 s29, $0x2  }
0xb7: {  	s2 =	sand.u32 $0x4000, s30;
	s1 =	sand.u32 $0x1, s29;
	s0 =	sadd.s32 s31, s28  }
0xb8: {  	s1 =	sor.u32 s2, s1;
	s0 =	sshll.u32 s0, $0x11  }
0xb9: {  	s0 =	sor.u32 s0, s1  }
0xba: {  	s0 =	sadd.s32 $0x8F2B, s0  }
0xbb: {  	[sflag:s0] =	ssyncadd.remote.s32 $0x1  }
0xbc: {  	_ =	sfence.sel $0xFFFF  }
0xbd: {  	[dreg:$0x0] =	wrdreg $0xFFFFFFFF;
	(pc) =	sbr.abs _section_cstart, $3  }
0xbe: {  	[dreg:$0x1] =	wrdreg $0xFFFFFFFF  }
0xbf: {  	_ =	task.clear_ibuf [dreg:s5], $0x2FFFF;
	_ =	strace $0x9FFFFFFF  }
0xc0: {  	(tm) =	ssettm $0x7FFFFFFF  }
0xc1: {  	_ =	shalt  }
tec
execute0_lowered:
.L_overlay_start_1:
0x0: {  	(tag) =	ssettag $0x1  }
0x1: {  	s0 =	stileid.u32  }
0x2: {  	s1 =	smin.u32 s0, $0x9  }
0x3: {  	s1 =	sadd.s32 s0, s1  }
0x4: {  	s2 =	simm.s32 $0xA0;
	p0 =	slt.u32 s0, $0x9;
	s1 =	smul.u32 $0x50, s1  }
0x5: {  	s2 =	simm.s32 @!p0 $0x50  }
0x6: {  	s2 =	sadd.s32 s2, s1  }
0x7: {  	s3 =	smin.u32 s2, $0x7D0  }
0x8: {  	s7 =	ssub.s32 s3, s1  }
0x9: {  	p0 =	sgt.s32 s7, $0x0  }
0xa: {  	s7 =	simm.s32 @!p0 $0x0  }
0xb: {  	s4 =	rddreg [dreg:$0x0];
	s31 =	smul.u32 $0xCCCD, s7  }
0xc: {  	s5 =	rddreg [dreg:$0x1]  }
0xd: {  	s6 =	simm.s32 $0x1;
	s10 =	simm.s32 $0x3;
	s8 =	sshrl.u32 s31, $0x16  }
0xe: {  	s13 =	simm.s32 $0x0;
	s12 =	simm.s32 $0x0;
	s9 =	smul.u32 $0x50, s8  }
.Ltmp0:
0xf: {  	s11 =	smov.u32 s1;
	s2 =	rddreg [dreg:$0x2];
	(pc) =	sbr.rel .LBB2_1-.Ltmp0, $4  }
0x10: {  	_ =	strace $0x80000047;
	p0 =	sne.s32 s7, s9;
	s9 =	simm.s32 $0x1  }
0x11: {  	[sflag:s6] =	ssyncpa.u1 $0x0;
	s7 =	simm.s32 $0x2;
	s9 =	simm.s32 @!p0 $0x0  }
0x12: {  	[sflag:s7] =	ssyncpa.u1 $0x0;
	p0 =	por $0x0, $0x0;
	s8 =	sadd.s32 s8, s9  }
0x13: {  	vm0 =	vmmov $0xff;
	vm1 =	vcmask $0x3F20;
	s9 =	sadd.s32 $0x20FA00, s4;
	[sflag:s10] =	ssyncpa.u1 $0x0;
	s10 =	sadd.s32 $0x1, s8  }
.LBB2_6:
0x14: {  	[hbm:s17] =	stream.linear.scatter [tilespmem:s14], [sflag:$0x3], $0x400, $0x38;
	[tilespmem:$0x50A0] =	vst v63  }
.LBB2_7:
0x15: {  	s13 =	sadd.s32 $0x50, s11  }
0x16: {  	s15 =	smov.u32 s1;
	p2 =	slt.s32 s13, s3  }
0x17: {  	s15 =	smov.u32 @p2 s13;
	p2 =	sne.s32 s12, s10  }
.Ltmp1:
0x18: {  	p1 =	slt.u32 s12, $0x2;
	(pc) =	sbr.rel @!p2 .LBB2_8-.Ltmp1, $4  }
0x19: {  	s14 =	simm.s32 @!p1 $0x3  }
0x1a: {  	s16 =	sadd.s32 $0x1, s12;
	_ =	swait.ge @!p1 [sflag:s14], $0x2800  }
0x1b: {  	p0 =	por !p0, !p0;
	s13 =	smov.u32 s11;
	[sflag:s14] =	ssyncset.done @!p1 $0x0  }
0x1c: {  	s12 =	smov.u32 s16;
	s11 =	smov.u32 s15;
	[sflag:s14] =	ssyncadd.s32 @!p1 $0xFFFFD800  }
.LBB2_1:
0x1d: {  	p1 =	sge.u32 s12, s8  }
0x1e: {  	s14 =	sxor.u32 @!p1 $0xFFFFFFFF, s12  }
0x1f: {  	s14 =	sand.u32 @!p1 $0x1, s14  }
0x20: {  	s14 =	smul.u32 @!p1 $0x140, s14  }
0x21: {  	s31 =	sadd.s32 $0xFFFFFFFF, s12;
	s15 =	sshrl.u32 @!p1 s11, $0x3  }
0x22: {  	s16 =	sand.u32 @!p1 $0x7, s11;
	s15 =	sadd.s32 @!p1 s5, s15;
	s14 =	sshrl.u32 @!p1 s14, $0x2  }
0x23: {  	[tilespmem:s14], [sflag:$0x2] =	stream.linear.gather @!p1 [hbm4b:s15+s16], $0x50, $0x38;
	[tilespmem:$0x50A0] =	vst v63  }
0x24: {  	p1 =	sge.u32 s31, s8  }
.Ltmp2:
0x25: {  	_ = 	snop;
	(pc) =	sbr.rel @p1 .LBB2_7-.Ltmp2, $1  }
0x26: {  	_ =	sdelay $0x3  }
0x27: {  	s14 =	simm.s32 $0x1  }
0x28: {  	s14 =	simm.s32 @!p0 $0x0  }
0x29: {  	s15 =	smul.u32 $0x140, s14  }
0x2a: {  	_ =	swait.ge [sflag:s7], $0x50  }
0x2b: {  	[sflag:s7] =	ssyncset.done $0x0;
	s16 =	sshrl.u32 s15, $0x2  }
0x2c: {  	[sflag:s7] =	ssyncadd.s32 $0xFFFFFFB0;
	s15 =	sadd.s32 $0x0, s16  }
0x2d: {  	v0 =	vld.msk [tilespmem:s15+$0x0 ss:$0x1], $0xffff;
	_ =	sdelay $0x4  }
0x2e: {  	vm2 =	veq.s32 v0, $0x80000000;
	v1 =	vand.u32 $0x1, v0;
	v0 =	vshll.u32 v0, $0x7  }
0x2f: {  	v1 =	vsel vm2, $0xFFFFFFFF, v1;
	v0 =	vand.u32 $0x7FFF00, v0  }
0x30: {  	v0 =	vsel vm2, $0xFFFFFF00, v0;
	v2 =	vand.u32 $0xFFFFFF00, v1;
	v1 =	vshll.u32 v1, $0x7  }
0x31: {  	v0 =	vadd.s32 v2, v0;
	v1 =	vand.u32 $0x80, v1  }
0x32: {  	v0 =	vor.u32 v1, v0  }
0x33: {  	v0 =	vshrl.u32 v0, $0x3  }
0x34: {  	s14 =	smul.u32 $0xA000, s14;
	_ =	sdelay $0x1  }
0x35: {  	s14 =	sshrl.u32 s14, $0x2  }
0x36: {  	s14 =	sor.u32 $0xA0, s14  }
0x37: {  	[tilespmem:s14], [sflag:$0x1] =	stream.indirect_vreg.gather [hbm:s9], $0x80, v0, vm0, $0x38;
	[tilespmem:$0x50A0] =	vst v63  }
0x38: {  	s17 =	sadd.s32 $0x10, s16;
	s15 =	sadd.s32 $0x400, s14  }
0x39: {  	[tilespmem:s15], [sflag:$0x1] =	stream.indirect_vreg.gather [hbm:s9], $0x80, v0, vm1, $0x38;
	[tilespmem:$0x50A0] =	vst v63  }
0x3a: {  	s18 =	simm.s32 $0x80;
	v0 =	vld.msk [tilespmem:s17+$0x0 ss:$0x1], $0xffff;
	s17 =	smov.u32 s14  }
.LBB2_3:
0x3b: {  	p1 =	sne.s32 s18, $0x100;
	_ =	sdelay $0x4  }
0x3c: {  	vm2 =	veq.s32 v0, $0x80000000;
	v1 =	vand.u32 $0x1, v0;
	v0 =	vshll.u32 v0, $0x7  }
0x3d: {  	v1 =	vsel vm2, $0xFFFFFFFF, v1;
	v0 =	vand.u32 $0x7FFF00, v0  }
0x3e: {  	v0 =	vsel vm2, $0xFFFFFF00, v0;
	v2 =	vand.u32 $0xFFFFFF00, v1;
	v1 =	vshll.u32 v1, $0x7  }
0x3f: {  	v0 =	vadd.s32 v2, v0;
	v1 =	vand.u32 $0x80, v1  }
0x40: {  	v0 =	vor.u32 v1, v0  }
0x41: {  	v0 =	vshrl.u32 v0, $0x3;
	_ =	sdelay $0x3  }
.Ltmp3:
0x42: {  	s19 =	sshra.s32 s18, $0x2;
	s17 =	sadd.s32 $0x800, s17;
	(pc) =	sbr.rel @p1 .LBB2_3-.Ltmp3, $4  }
0x43: {  	[tilespmem:s17], [sflag:$0x1] =	stream.indirect_vreg.gather [hbm:s9], $0x80, v0, vm0, $0x38;
	[tilespmem:$0x50A0] =	vst v63  }
0x44: {  	s19 =	sadd.s32 s19, s16;
	s20 =	sadd.s32 $0x400, s17  }
0x45: {  	[tilespmem:s20], [sflag:$0x1] =	stream.indirect_vreg.gather [hbm:s9], $0x80, v0, vm1, $0x38;
	[tilespmem:$0x50A0] =	vst v63  }
0x46: {  	s18 =	sadd.s32 $0x40, s18;
	v0 =	vld.msk [tilespmem:s19+$0x0 ss:$0x1], $0xffff  }
0x47: {  	_ =	sdelay $0x3  }
0x48: {  	vm2 =	veq.s32 v0, $0x80000000;
	v1 =	vand.u32 $0x1, v0;
	v63 =	vshll.u32 v0, $0x7  }
0x49: {  	v1 =	vsel vm2, $0xFFFFFFFF, v1;
	v0 =	vand.u32 $0x7FFF00, v63  }
0x4a: {  	v0 =	vsel vm2, $0xFFFFFF00, v0;
	v2 =	vand.u32 $0xFFFFFF00, v1;
	v1 =	vshll.u32 v1, $0x7  }
0x4b: {  	v0 =	vadd.s32 v2, v0;
	v1 =	vand.u32 $0x80, v1  }
0x4c: {  	v0 =	vor.u32 v1, v0  }
0x4d: {  	v0 =	vshrl.u32 v0, $0x3;
	_ =	sdelay $0x3  }
0x4e: {  	s16 =	sadd.s32 $0x800, s17  }
0x4f: {  	[tilespmem:s16], [sflag:$0x1] =	stream.indirect_vreg.gather [hbm:s9], $0x80, v0, vm0, $0x38;
	[tilespmem:$0x50A0] =	vst v63  }
0x50: {  	s16 =	sadd.s32 $0x400, s16  }
0x51: {  	[tilespmem:s16], [sflag:$0x1] =	stream.indirect_vreg.gather [hbm:s9], $0x80, v0, vm1, $0x38;
	[tilespmem:$0x50A0] =	vst v63  }
0x52: {  	s13 =	sshll.u32 s13, $0x4;
	_ =	swait.ge [sflag:s6], $0x2800  }
0x53: {  	s13 =	sadd.s32 s13, s4;
	[sflag:s6] =	ssyncset.done $0x0  }
0x54: {  	s17 =	sadd.s32 $0x0, s13;
	s16 =	simm.s32 $0x80;
	[sflag:s6] =	ssyncadd.s32 $0xFFFFD800  }
.LBB2_5:
0x55: {  	[hbm:s17] =	stream.linear.scatter [tilespmem:s14], [sflag:$0x3], $0x400, $0x38;
	[tilespmem:$0x50A0] =	vst v63  }
0x56: {  	s17 =	smov.u32 s16;
	s14 =	smov.u32 s15;
	p1 =	sne.s32 s16, $0x480  }
.Ltmp4:
0x57: {  	s16 =	sadd.s32 $0x80, s16;
	(pc) =	sbr.rel @p1 .LBB2_5-.Ltmp4, $2  }
0x58: {  	_ =	sdelay $0x2  }
0x59: {  	s15 =	sadd.s32 $0x400, s15;
	s17 =	sadd.s32 s17, s13  }
.Ltmp5:
0x5a: {  	_ = 	snop;
	(pc) =	sbr.rel .LBB2_6-.Ltmp5, $1  }
0x5b: {  	_ =	sdelay $0x3  }
.LBB2_8:
0x5c: {  	_ =	sfence.sel $0x180000  }
0x5d: {  	s1 =	simm.s32 $0x2;
	[bflag:$0x0] =	sbarrier.arrive $0xFFFF  }
0x5e: {  	s30 =	simm.s32 $0x3;
	[sflag:s1] =	ssyncpa.u1 $0x1  }
0x5f: {  	s31 =	simm.s32 $0x1;
	[sflag:s30] =	ssyncpa.u1 $0x1  }
0x60: {  	[sflag:s31] =	ssyncpa.u1 $0x1  }
0x61: {  	p0 =	sne.s32 s0, $0x0;
	_ =	strace $0x90000047  }
0x62: {  	s0 =	sadd.s32 @!p0 $0x100000, s2;
	[bflag:$0x2] =	sbarrier.arrive $0xFFFF  }
0x63: {  	[sflag:s0] =	ssyncadd.tile.s32 @!p0 $0x1;
	_ =	shalt  }
.Lfunc_end2:
_tile_overlayer_lowered:
.L_overlay_start_2:
0x64: {  	(tag) =	ssettag $0x2  }
0x65: {  	s0 =	rddreg [dreg:$0x0];
	s2 =	stileid.u32  }
0x66: {  	s1 =	rddreg [dreg:$0x1];
	p0 =	sne.s32 s2, $0x0  }
0x67: {  	s3 =	rddreg [dreg:$0x2];
	[bflag:$0x3] =	sbarrier.arrive $0xFFFF;
	s2 =	simm.s32 @!p0 $0x1C01  }
0x68: {  	[timem:s3], [sflag:s2] =	dma.local @!p0 [hbm:s0], s1  }
0x69: {  	s0 =	simm.s32 @!p0 $0x1  }
0x6a: {  	_ =	swait.ge @!p0 [sflag:s0], s1  }
0x6b: {  	s1 =	ssub.s32 @!p0 $0x0, s1;
	[sflag:s0] =	ssyncset.done @!p0 $0x0  }
0x6c: {  	[sflag:s0] =	ssyncadd.s32 @!p0 s1  }
0x6d: {  	[bflag:$0x3] =	sbarrier.arrive $0xFFFF  }
0x6e: {  	_ =	shalt  }

</sc_bundles>
